<compile_context>
chip_gen: v7x
topology: tpu7x:2x2x1
jax: 0.10.2.dev20260603
libtpu: 0.0.44.dev20260713+nightly
codegen_flags: <defaults>
</compile_context>

<pallas_src>
import jax
import jax.numpy as jnp
from jax import lax
from jax.experimental import pallas as pl
from jax.experimental.pallas import tpu as pltpu
from jax.experimental.pallas import tpu_sc as plsc

NUM_CLASSES = 1000
B, S = 4096, 20
NC, NS, L = 2, 16, 16
NW = NC * NS
BPW = B // NW
GPW = BPW // L
CH = 200
NCH = NUM_CLASSES // CH
NBLK = S * NCH
NBUF = 2


def _body(xt_hbm, out_hbm, idx_v, buf0, buf1, sem0, sem1):
  wid = lax.axis_index("s") * NC + lax.axis_index("c")
  b0 = wid * BPW

  idx_cp = pltpu.async_copy(xt_hbm.at[:, pl.ds(b0, BPW)], idx_v, sem0)

  zeros = jnp.zeros((L,), jnp.int32)
  ones = jnp.ones((L,), jnp.int32)
  bufs = (buf0, buf1)
  sems = (sem0, sem1)

  def _zero_fill(buf):
    def _zero(c, _):
      for g in range(GPW):
        buf[c, pl.ds(g * L, L)] = zeros
        buf[c + CH // 2, pl.ds(g * L, L)] = zeros
      return 0

    lax.fori_loop(0, CH // 2, _zero, 0)

  iota = lax.iota(jnp.int32, L)

  def _scatter(buf, j, c0, val):
    for g in range(GPW):
      cvec = idx_v[j, pl.ds(g * L, L)]
      mask = (cvec >= c0) & (cvec < c0 + CH)
      plsc.store_scatter(buf, [cvec - c0, iota + g * L], val, mask=mask)

  def _dst(tt):
    j = tt // NCH
    c0 = (tt - j * NCH) * CH
    return j, c0, out_hbm.at[j, pl.ds(c0, CH), pl.ds(b0, BPW)]

  _zero_fill(buf0)
  idx_cp.wait()
  _scatter(buf0, 0, 0, ones)
  pltpu.async_copy(buf0, _dst(0)[2], sem0)
  _zero_fill(buf1)
  _scatter(buf1, 0, CH, ones)
  pltpu.async_copy(buf1, _dst(1)[2], sem1)

  def _step(i, _):
    for b in range(NBUF):
      tt = i * NBUF + b
      buf = bufs[b]
      sem = sems[b]
      j, c0, dst = _dst(tt)
      pltpu.make_async_copy(buf, dst, sem).wait()
      jp, c0p, _ = _dst(tt - NBUF)
      _scatter(buf, jp, c0p, zeros)
      _scatter(buf, j, c0, ones)
      pltpu.async_copy(buf, dst, sem)
    return 0

  lax.fori_loop(1, NBLK // NBUF, _step, 0)

  for b in range(NBUF):
    tt = NBLK - NBUF + b
    pltpu.make_async_copy(bufs[b], _dst(tt)[2], sems[b]).wait()


@jax.jit
def _one_hot_sc(xt):
  mesh = plsc.VectorSubcoreMesh(core_axis_name="c", subcore_axis_name="s")
  k = pl.kernel(
      _body,
      out_type=jax.ShapeDtypeStruct((S, NUM_CLASSES, B), jnp.int32),
      mesh=mesh,
      scratch_types=[
          pltpu.VMEM((S, BPW), jnp.int32),
          pltpu.VMEM((CH, BPW), jnp.int32),
          pltpu.VMEM((CH, BPW), jnp.int32),
          pltpu.SemaphoreType.DMA,
          pltpu.SemaphoreType.DMA,
      ],
      compiler_params=pltpu.CompilerParams(
          needs_layout_passes=False,
          use_tc_tiling_on_sc=True,
      ),
  )
  return k(xt)


def kernel(x):
  xt = x.astype(jnp.int32).T
  out_t = _one_hot_sc(xt)
  return jnp.transpose(out_t, (2, 0, 1))

# --- scband reference (transcript-rebuilt; emitter-appended) ---
"""Pipeline reference for scband-one-hot-encoding-61813169324055 (READ-ONLY COPY).

The authoritative reference and input builder live on the scoring server;
editing this copy changes nothing except your own understanding.
"""

import jax, jax.numpy as jnp
import numpy as np

# The original torch module reads a module-level global `one_hot_encoding_len`.
# We fix it as a constant matching the RECSYS vocab choice.
ONE_HOT_ENCODING_LEN = 1000


def setup_inputs(seed: int = 0) -> dict:
    key = jax.random.key(seed)
    x = jax.random.randint(key, (4096, 20), 0, ONE_HOT_ENCODING_LEN, dtype=jnp.int32).astype(jnp.int64)
    return {"x": x}


def reference(x):
    # torch.nn.functional.one_hot(x, one_hot_encoding_len) returns an integer tensor
    # of shape x.shape + (num_classes,). Faithful jax translation:
    out = jax.nn.one_hot(x, ONE_HOT_ENCODING_LEN, dtype=jnp.int32)
    return out

if __name__ == "__main__":
    import jax
    _d = setup_inputs()
    print(jax.jit(kernel)(*tuple(_d.values())))

</pallas_src>

<mosaic_0001>
#map = affine_map<(d0, d1) -> (0, 0)>
#map1 = affine_map<(d0, d1) -> (0, 0, 0)>
module attributes {stable_mosaic.version = 14 : i64} {
  func.func @_body(%arg0: i32, %arg1: i32, %arg2: memref<20x4096xi32, #tpu.memory_space<hbm>>, %arg3: memref<20x1000x4096xi32, #tpu.memory_space<hbm>>, %arg4: memref<20x128xi32, #tpu.memory_space<vmem>>, %arg5: memref<200x128xi32, #tpu.memory_space<vmem>>, %arg6: memref<200x128xi32, #tpu.memory_space<vmem>>, %arg7: memref<!tpu.dma_semaphore, #tpu.memory_space<semaphore_mem>>, %arg8: memref<!tpu.dma_semaphore, #tpu.memory_space<semaphore_mem>>) attributes {dimension_semantics = [#tpu.dimension_semantics<core_parallel>, #tpu.dimension_semantics<subcore_parallel>], iteration_bounds = array<i64: 2, 16>, scalar_prefetch = 0 : i64, scratch_operands = 5 : i64, tpu.core_type = #tpu.core_type<sc_vector_subcore>, window_params = [{transform_indices = #map}, {transform_indices = #map1}]} {
    %mul3A = arith.constant 2 : i32
    %mul3A_0 = arith.muli %arg1, %mul3A : i32
    %add3A = arith.addi %mul3A_0, %arg0 : i32
    %mul3A_1 = arith.constant 128 : i32
    %mul3A_2 = arith.muli %add3A, %mul3A_1 : i32
    %dma_start3A = arith.constant 0 : i32
    %dma_start3A_3 = tpu.memref_slice %arg2[%dma_start3A, %mul3A_2] : memref<20x4096xi32, #tpu.memory_space<hbm>> -> memref<20x128xi32, #tpu.memory_space<hbm>>
    %dma_start3A_4 = arith.constant 0 : i32
    %dma_start3A_5 = tpu.memref_slice %arg2[%dma_start3A_4, %mul3A_2] : memref<20x4096xi32, #tpu.memory_space<hbm>> -> memref<20x128xi32, #tpu.memory_space<hbm>>
    tpu.enqueue_dma source(%dma_start3A_5 : memref<20x128xi32, #tpu.memory_space<hbm>>) target(%arg4 : memref<20x128xi32, #tpu.memory_space<vmem>>) target_semaphore(%arg7 : memref<!tpu.dma_semaphore, #tpu.memory_space<semaphore_mem>>)
    %broadcast_in_dim3A = arith.constant 0 : i32
    %broadcast_in_dim3A_6 = vector.broadcast %broadcast_in_dim3A : i32 to vector<16xi32>
    %broadcast_in_dim3A_7 = arith.constant 1 : i32
    %broadcast_in_dim3A_8 = vector.broadcast %broadcast_in_dim3A_7 : i32 to vector<16xi32>
    %iota3A = tpu.iota {dimensions = array<i32: 0>} : vector<16xi32>
    %scan3A = arith.constant 0 : i32
    %scan3A_9 = arith.constant 0 : i32
    %scan3A_10 = arith.constant 100 : i32
    %scan3A_11 = arith.addi %scan3A_9, %scan3A_10 : i32
    %scan3A_12 = arith.constant 1 : i32
    %scan3A_13 = scf.for %scan3A_327 = %scan3A_9 to %scan3A_11 step %scan3A_12 iter_args(%scan3A_328 = %scan3A) -> (i32)  : i32 {
      %swap3A = arith.index_cast %scan3A_327 : i32 to index
      %swap3A_329 = arith.constant 0 : index
      %swap3A_330 = tpu.vector_load %arg5[%swap3A, %swap3A_329] {strides = array<i32>} : memref<200x128xi32, #tpu.memory_space<vmem>>, vector<16xi32>,
      tpu.vector_store %arg5[%swap3A, %swap3A_329], %broadcast_in_dim3A_6 {strides = array<i32>} : memref<200x128xi32, #tpu.memory_space<vmem>>, vector<16xi32>,
      %add3A_331 = arith.constant 100 : i32
      %add3A_332 = arith.addi %scan3A_327, %add3A_331 : i32
      %swap3A_333 = arith.index_cast %add3A_332 : i32 to index
      %swap3A_334 = arith.constant 0 : index
      %swap3A_335 = tpu.vector_load %arg5[%swap3A_333, %swap3A_334] {strides = array<i32>} : memref<200x128xi32, #tpu.memory_space<vmem>>, vector<16xi32>,
      tpu.vector_store %arg5[%swap3A_333, %swap3A_334], %broadcast_in_dim3A_6 {strides = array<i32>} : memref<200x128xi32, #tpu.memory_space<vmem>>, vector<16xi32>,
      %swap3A_336 = arith.index_cast %scan3A_327 : i32 to index
      %swap3A_337 = arith.constant 16 : index
      %swap3A_338 = tpu.vector_load %arg5[%swap3A_336, %swap3A_337] {strides = array<i32>} : memref<200x128xi32, #tpu.memory_space<vmem>>, vector<16xi32>,
      tpu.vector_store %arg5[%swap3A_336, %swap3A_337], %broadcast_in_dim3A_6 {strides = array<i32>} : memref<200x128xi32, #tpu.memory_space<vmem>>, vector<16xi32>,
      %add3A_339 = arith.constant 100 : i32
      %add3A_340 = arith.addi %scan3A_327, %add3A_339 : i32
      %swap3A_341 = arith.index_cast %add3A_340 : i32 to index
      %swap3A_342 = arith.constant 16 : index
      %swap3A_343 = tpu.vector_load %arg5[%swap3A_341, %swap3A_342] {strides = array<i32>} : memref<200x128xi32, #tpu.memory_space<vmem>>, vector<16xi32>,
      tpu.vector_store %arg5[%swap3A_341, %swap3A_342], %broadcast_in_dim3A_6 {strides = array<i32>} : memref<200x128xi32, #tpu.memory_space<vmem>>, vector<16xi32>,
      %swap3A_344 = arith.index_cast %scan3A_327 : i32 to index
      %swap3A_345 = arith.constant 32 : index
      %swap3A_346 = tpu.vector_load %arg5[%swap3A_344, %swap3A_345] {strides = array<i32>} : memref<200x128xi32, #tpu.memory_space<vmem>>, vector<16xi32>,
      tpu.vector_store %arg5[%swap3A_344, %swap3A_345], %broadcast_in_dim3A_6 {strides = array<i32>} : memref<200x128xi32, #tpu.memory_space<vmem>>, vector<16xi32>,
      %add3A_347 = arith.constant 100 : i32
      %add3A_348 = arith.addi %scan3A_327, %add3A_347 : i32
      %swap3A_349 = arith.index_cast %add3A_348 : i32 to index
      %swap3A_350 = arith.constant 32 : index
      %swap3A_351 = tpu.vector_load %arg5[%swap3A_349, %swap3A_350] {strides = array<i32>} : memref<200x128xi32, #tpu.memory_space<vmem>>, vector<16xi32>,
      tpu.vector_store %arg5[%swap3A_349, %swap3A_350], %broadcast_in_dim3A_6 {strides = array<i32>} : memref<200x128xi32, #tpu.memory_space<vmem>>, vector<16xi32>,
      %swap3A_352 = arith.index_cast %scan3A_327 : i32 to index
      %swap3A_353 = arith.constant 48 : index
      %swap3A_354 = tpu.vector_load %arg5[%swap3A_352, %swap3A_353] {strides = array<i32>} : memref<200x128xi32, #tpu.memory_space<vmem>>, vector<16xi32>,
      tpu.vector_store %arg5[%swap3A_352, %swap3A_353], %broadcast_in_dim3A_6 {strides = array<i32>} : memref<200x128xi32, #tpu.memory_space<vmem>>, vector<16xi32>,
      %add3A_355 = arith.constant 100 : i32
      %add3A_356 = arith.addi %scan3A_327, %add3A_355 : i32
      %swap3A_357 = arith.index_cast %add3A_356 : i32 to index
      %swap3A_358 = arith.constant 48 : index
      %swap3A_359 = tpu.vector_load %arg5[%swap3A_357, %swap3A_358] {strides = array<i32>} : memref<200x128xi32, #tpu.memory_space<vmem>>, vector<16xi32>,
      tpu.vector_store %arg5[%swap3A_357, %swap3A_358], %broadcast_in_dim3A_6 {strides = array<i32>} : memref<200x128xi32, #tpu.memory_space<vmem>>, vector<16xi32>,
      %swap3A_360 = arith.index_cast %scan3A_327 : i32 to index
      %swap3A_361 = arith.constant 64 : index
      %swap3A_362 = tpu.vector_load %arg5[%swap3A_360, %swap3A_361] {strides = array<i32>} : memref<200x128xi32, #tpu.memory_space<vmem>>, vector<16xi32>,
      tpu.vector_store %arg5[%swap3A_360, %swap3A_361], %broadcast_in_dim3A_6 {strides = array<i32>} : memref<200x128xi32, #tpu.memory_space<vmem>>, vector<16xi32>,
      %add3A_363 = arith.constant 100 : i32
      %add3A_364 = arith.addi %scan3A_327, %add3A_363 : i32
      %swap3A_365 = arith.index_cast %add3A_364 : i32 to index
      %swap3A_366 = arith.constant 64 : index
      %swap3A_367 = tpu.vector_load %arg5[%swap3A_365, %swap3A_366] {strides = array<i32>} : memref<200x128xi32, #tpu.memory_space<vmem>>, vector<16xi32>,
      tpu.vector_store %arg5[%swap3A_365, %swap3A_366], %broadcast_in_dim3A_6 {strides = array<i32>} : memref<200x128xi32, #tpu.memory_space<vmem>>, vector<16xi32>,
      %swap3A_368 = arith.index_cast %scan3A_327 : i32 to index
      %swap3A_369 = arith.constant 80 : index
      %swap3A_370 = tpu.vector_load %arg5[%swap3A_368, %swap3A_369] {strides = array<i32>} : memref<200x128xi32, #tpu.memory_space<vmem>>, vector<16xi32>,
      tpu.vector_store %arg5[%swap3A_368, %swap3A_369], %broadcast_in_dim3A_6 {strides = array<i32>} : memref<200x128xi32, #tpu.memory_space<vmem>>, vector<16xi32>,
      %add3A_371 = arith.constant 100 : i32
      %add3A_372 = arith.addi %scan3A_327, %add3A_371 : i32
      %swap3A_373 = arith.index_cast %add3A_372 : i32 to index
      %swap3A_374 = arith.constant 80 : index
      %swap3A_375 = tpu.vector_load %arg5[%swap3A_373, %swap3A_374] {strides = array<i32>} : memref<200x128xi32, #tpu.memory_space<vmem>>, vector<16xi32>,
      tpu.vector_store %arg5[%swap3A_373, %swap3A_374], %broadcast_in_dim3A_6 {strides = array<i32>} : memref<200x128xi32, #tpu.memory_space<vmem>>, vector<16xi32>,
      %swap3A_376 = arith.index_cast %scan3A_327 : i32 to index
      %swap3A_377 = arith.constant 96 : index
      %swap3A_378 = tpu.vector_load %arg5[%swap3A_376, %swap3A_377] {strides = array<i32>} : memref<200x128xi32, #tpu.memory_space<vmem>>, vector<16xi32>,
      tpu.vector_store %arg5[%swap3A_376, %swap3A_377], %broadcast_in_dim3A_6 {strides = array<i32>} : memref<200x128xi32, #tpu.memory_space<vmem>>, vector<16xi32>,
      %add3A_379 = arith.constant 100 : i32
      %add3A_380 = arith.addi %scan3A_327, %add3A_379 : i32
      %swap3A_381 = arith.index_cast %add3A_380 : i32 to index
      %swap3A_382 = arith.constant 96 : index
      %swap3A_383 = tpu.vector_load %arg5[%swap3A_381, %swap3A_382] {strides = array<i32>} : memref<200x128xi32, #tpu.memory_space<vmem>>, vector<16xi32>,
      tpu.vector_store %arg5[%swap3A_381, %swap3A_382], %broadcast_in_dim3A_6 {strides = array<i32>} : memref<200x128xi32, #tpu.memory_space<vmem>>, vector<16xi32>,
      %swap3A_384 = arith.index_cast %scan3A_327 : i32 to index
      %swap3A_385 = arith.constant 112 : index
      %swap3A_386 = tpu.vector_load %arg5[%swap3A_384, %swap3A_385] {strides = array<i32>} : memref<200x128xi32, #tpu.memory_space<vmem>>, vector<16xi32>,
      tpu.vector_store %arg5[%swap3A_384, %swap3A_385], %broadcast_in_dim3A_6 {strides = array<i32>} : memref<200x128xi32, #tpu.memory_space<vmem>>, vector<16xi32>,
      %add3A_387 = arith.constant 100 : i32
      %add3A_388 = arith.addi %scan3A_327, %add3A_387 : i32
      %swap3A_389 = arith.index_cast %add3A_388 : i32 to index
      %swap3A_390 = arith.constant 112 : index
      %swap3A_391 = tpu.vector_load %arg5[%swap3A_389, %swap3A_390] {strides = array<i32>} : memref<200x128xi32, #tpu.memory_space<vmem>>, vector<16xi32>,
      tpu.vector_store %arg5[%swap3A_389, %swap3A_390], %broadcast_in_dim3A_6 {strides = array<i32>} : memref<200x128xi32, #tpu.memory_space<vmem>>, vector<16xi32>,
      %scan3A_392 = arith.constant 0 : i32
      scf.yield %scan3A_392 : i32
    }
    %scan3A_14 = arith.constant 100 : i32
    %dma_wait3A = arith.constant 0 : i32
    %dma_wait3A_15 = tpu.memref_slice %arg2[%dma_wait3A, %mul3A_2] : memref<20x4096xi32, #tpu.memory_space<hbm>> -> memref<20x128xi32, #tpu.memory_space<hbm>>
    %dma_wait3A_16 = arith.constant 0 : i32
    %dma_wait3A_17 = tpu.memref_slice %arg2[%dma_wait3A_16, %mul3A_2] : memref<20x4096xi32, #tpu.memory_space<hbm>> -> memref<20x128xi32, #tpu.memory_space<hbm>>
    tpu.wait_dma2 semaphore(%arg7 : memref<!tpu.dma_semaphore, #tpu.memory_space<semaphore_mem>>) src(%dma_wait3A_17 : memref<20x128xi32, #tpu.memory_space<hbm>>) dst(%arg4 : memref<20x128xi32, #tpu.memory_space<vmem>>)
    %get3A = arith.constant 0 : i32
    %get3A_18 = arith.index_cast %get3A : i32 to index
    %get3A_19 = arith.constant 0 : index
    %get3A_20 = tpu.vector_load %arg4[%get3A_18, %get3A_19] {strides = array<i32>} : memref<20x128xi32, #tpu.memory_space<vmem>>, vector<16xi32>,
    %ge3A = arith.constant 0 : i32
    %ge3A_21 = vector.broadcast %ge3A : i32 to vector<16xi32>
    %ge3A_22 = arith.cmpi sge, %get3A_20, %ge3A_21 : vector<16xi32>
    %lt3A = arith.constant 200 : i32
    %lt3A_23 = vector.broadcast %lt3A : i32 to vector<16xi32>
    %lt3A_24 = arith.cmpi slt, %get3A_20, %lt3A_23 : vector<16xi32>
    %and3A = arith.andi %ge3A_22, %lt3A_24 : vector<16xi1>
    %sub3A = arith.constant 0 : i32
    %sub3A_25 = vector.broadcast %sub3A : i32 to vector<16xi32>
    %sub3A_26 = arith.subi %get3A_20, %sub3A_25 : vector<16xi32>
    %add3A_27 = arith.constant 0 : i32
    %add3A_28 = vector.broadcast %add3A_27 : i32 to vector<16xi32>
    %add3A_29 = arith.addi %iota3A, %add3A_28 : vector<16xi32>
    tpu.vector_store_idx %arg5[%sub3A_26, %add3A_29], %broadcast_in_dim3A_8 masked %and3A : memref<200x128xi32, #tpu.memory_space<vmem>>[vector<16xi32>, vector<16xi32>], vector<16xi32>, vector<16xi1>
    %get3A_30 = arith.constant 0 : i32
    %get3A_31 = arith.index_cast %get3A_30 : i32 to index
    %get3A_32 = arith.constant 16 : index
    %get3A_33 = tpu.vector_load %arg4[%get3A_31, %get3A_32] {strides = array<i32>} : memref<20x128xi32, #tpu.memory_space<vmem>>, vector<16xi32>,
    %ge3A_34 = arith.constant 0 : i32
    %ge3A_35 = vector.broadcast %ge3A_34 : i32 to vector<16xi32>
    %ge3A_36 = arith.cmpi sge, %get3A_33, %ge3A_35 : vector<16xi32>
    %lt3A_37 = arith.constant 200 : i32
    %lt3A_38 = vector.broadcast %lt3A_37 : i32 to vector<16xi32>
    %lt3A_39 = arith.cmpi slt, %get3A_33, %lt3A_38 : vector<16xi32>
    %and3A_40 = arith.andi %ge3A_36, %lt3A_39 : vector<16xi1>
    %sub3A_41 = arith.constant 0 : i32
    %sub3A_42 = vector.broadcast %sub3A_41 : i32 to vector<16xi32>
    %sub3A_43 = arith.subi %get3A_33, %sub3A_42 : vector<16xi32>
    %add3A_44 = arith.constant 16 : i32
    %add3A_45 = vector.broadcast %add3A_44 : i32 to vector<16xi32>
    %add3A_46 = arith.addi %iota3A, %add3A_45 : vector<16xi32>
    tpu.vector_store_idx %arg5[%sub3A_43, %add3A_46], %broadcast_in_dim3A_8 masked %and3A_40 : memref<200x128xi32, #tpu.memory_space<vmem>>[vector<16xi32>, vector<16xi32>], vector<16xi32>, vector<16xi1>
    %get3A_47 = arith.constant 0 : i32
    %get3A_48 = arith.index_cast %get3A_47 : i32 to index
    %get3A_49 = arith.constant 32 : index
    %get3A_50 = tpu.vector_load %arg4[%get3A_48, %get3A_49] {strides = array<i32>} : memref<20x128xi32, #tpu.memory_space<vmem>>, vector<16xi32>,
    %ge3A_51 = arith.constant 0 : i32
    %ge3A_52 = vector.broadcast %ge3A_51 : i32 to vector<16xi32>
    %ge3A_53 = arith.cmpi sge, %get3A_50, %ge3A_52 : vector<16xi32>
    %lt3A_54 = arith.constant 200 : i32
    %lt3A_55 = vector.broadcast %lt3A_54 : i32 to vector<16xi32>
    %lt3A_56 = arith.cmpi slt, %get3A_50, %lt3A_55 : vector<16xi32>
    %and3A_57 = arith.andi %ge3A_53, %lt3A_56 : vector<16xi1>
    %sub3A_58 = arith.constant 0 : i32
    %sub3A_59 = vector.broadcast %sub3A_58 : i32 to vector<16xi32>
    %sub3A_60 = arith.subi %get3A_50, %sub3A_59 : vector<16xi32>
    %add3A_61 = arith.constant 32 : i32
    %add3A_62 = vector.broadcast %add3A_61 : i32 to vector<16xi32>
    %add3A_63 = arith.addi %iota3A, %add3A_62 : vector<16xi32>
    tpu.vector_store_idx %arg5[%sub3A_60, %add3A_63], %broadcast_in_dim3A_8 masked %and3A_57 : memref<200x128xi32, #tpu.memory_space<vmem>>[vector<16xi32>, vector<16xi32>], vector<16xi32>, vector<16xi1>
    %get3A_64 = arith.constant 0 : i32
    %get3A_65 = arith.index_cast %get3A_64 : i32 to index
    %get3A_66 = arith.constant 48 : index
    %get3A_67 = tpu.vector_load %arg4[%get3A_65, %get3A_66] {strides = array<i32>} : memref<20x128xi32, #tpu.memory_space<vmem>>, vector<16xi32>,
    %ge3A_68 = arith.constant 0 : i32
    %ge3A_69 = vector.broadcast %ge3A_68 : i32 to vector<16xi32>
    %ge3A_70 = arith.cmpi sge, %get3A_67, %ge3A_69 : vector<16xi32>
    %lt3A_71 = arith.constant 200 : i32
    %lt3A_72 = vector.broadcast %lt3A_71 : i32 to vector<16xi32>
    %lt3A_73 = arith.cmpi slt, %get3A_67, %lt3A_72 : vector<16xi32>
    %and3A_74 = arith.andi %ge3A_70, %lt3A_73 : vector<16xi1>
    %sub3A_75 = arith.constant 0 : i32
    %sub3A_76 = vector.broadcast %sub3A_75 : i32 to vector<16xi32>
    %sub3A_77 = arith.subi %get3A_67, %sub3A_76 : vector<16xi32>
    %add3A_78 = arith.constant 48 : i32
    %add3A_79 = vector.broadcast %add3A_78 : i32 to vector<16xi32>
    %add3A_80 = arith.addi %iota3A, %add3A_79 : vector<16xi32>
    tpu.vector_store_idx %arg5[%sub3A_77, %add3A_80], %broadcast_in_dim3A_8 masked %and3A_74 : memref<200x128xi32, #tpu.memory_space<vmem>>[vector<16xi32>, vector<16xi32>], vector<16xi32>, vector<16xi1>
    %get3A_81 = arith.constant 0 : i32
    %get3A_82 = arith.index_cast %get3A_81 : i32 to index
    %get3A_83 = arith.constant 64 : index
    %get3A_84 = tpu.vector_load %arg4[%get3A_82, %get3A_83] {strides = array<i32>} : memref<20x128xi32, #tpu.memory_space<vmem>>, vector<16xi32>,
    %ge3A_85 = arith.constant 0 : i32
    %ge3A_86 = vector.broadcast %ge3A_85 : i32 to vector<16xi32>
    %ge3A_87 = arith.cmpi sge, %get3A_84, %ge3A_86 : vector<16xi32>
    %lt3A_88 = arith.constant 200 : i32
    %lt3A_89 = vector.broadcast %lt3A_88 : i32 to vector<16xi32>
    %lt3A_90 = arith.cmpi slt, %get3A_84, %lt3A_89 : vector<16xi32>
    %and3A_91 = arith.andi %ge3A_87, %lt3A_90 : vector<16xi1>
    %sub3A_92 = arith.constant 0 : i32
    %sub3A_93 = vector.broadcast %sub3A_92 : i32 to vector<16xi32>
    %sub3A_94 = arith.subi %get3A_84, %sub3A_93 : vector<16xi32>
    %add3A_95 = arith.constant 64 : i32
    %add3A_96 = vector.broadcast %add3A_95 : i32 to vector<16xi32>
    %add3A_97 = arith.addi %iota3A, %add3A_96 : vector<16xi32>
    tpu.vector_store_idx %arg5[%sub3A_94, %add3A_97], %broadcast_in_dim3A_8 masked %and3A_91 : memref<200x128xi32, #tpu.memory_space<vmem>>[vector<16xi32>, vector<16xi32>], vector<16xi32>, vector<16xi1>
    %get3A_98 = arith.constant 0 : i32
    %get3A_99 = arith.index_cast %get3A_98 : i32 to index
    %get3A_100 = arith.constant 80 : index
    %get3A_101 = tpu.vector_load %arg4[%get3A_99, %get3A_100] {strides = array<i32>} : memref<20x128xi32, #tpu.memory_space<vmem>>, vector<16xi32>,
    %ge3A_102 = arith.constant 0 : i32
    %ge3A_103 = vector.broadcast %ge3A_102 : i32 to vector<16xi32>
    %ge3A_104 = arith.cmpi sge, %get3A_101, %ge3A_103 : vector<16xi32>
    %lt3A_105 = arith.constant 200 : i32
    %lt3A_106 = vector.broadcast %lt3A_105 : i32 to vector<16xi32>
    %lt3A_107 = arith.cmpi slt, %get3A_101, %lt3A_106 : vector<16xi32>
    %and3A_108 = arith.andi %ge3A_104, %lt3A_107 : vector<16xi1>
    %sub3A_109 = arith.constant 0 : i32
    %sub3A_110 = vector.broadcast %sub3A_109 : i32 to vector<16xi32>
    %sub3A_111 = arith.subi %get3A_101, %sub3A_110 : vector<16xi32>
    %add3A_112 = arith.constant 80 : i32
    %add3A_113 = vector.broadcast %add3A_112 : i32 to vector<16xi32>
    %add3A_114 = arith.addi %iota3A, %add3A_113 : vector<16xi32>
    tpu.vector_store_idx %arg5[%sub3A_111, %add3A_114], %broadcast_in_dim3A_8 masked %and3A_108 : memref<200x128xi32, #tpu.memory_space<vmem>>[vector<16xi32>, vector<16xi32>], vector<16xi32>, vector<16xi1>
    %get3A_115 = arith.constant 0 : i32
    %get3A_116 = arith.index_cast %get3A_115 : i32 to index
    %get3A_117 = arith.constant 96 : index
    %get3A_118 = tpu.vector_load %arg4[%get3A_116, %get3A_117] {strides = array<i32>} : memref<20x128xi32, #tpu.memory_space<vmem>>, vector<16xi32>,
    %ge3A_119 = arith.constant 0 : i32
    %ge3A_120 = vector.broadcast %ge3A_119 : i32 to vector<16xi32>
    %ge3A_121 = arith.cmpi sge, %get3A_118, %ge3A_120 : vector<16xi32>
    %lt3A_122 = arith.constant 200 : i32
    %lt3A_123 = vector.broadcast %lt3A_122 : i32 to vector<16xi32>
    %lt3A_124 = arith.cmpi slt, %get3A_118, %lt3A_123 : vector<16xi32>
    %and3A_125 = arith.andi %ge3A_121, %lt3A_124 : vector<16xi1>
    %sub3A_126 = arith.constant 0 : i32
    %sub3A_127 = vector.broadcast %sub3A_126 : i32 to vector<16xi32>
    %sub3A_128 = arith.subi %get3A_118, %sub3A_127 : vector<16xi32>
    %add3A_129 = arith.constant 96 : i32
    %add3A_130 = vector.broadcast %add3A_129 : i32 to vector<16xi32>
    %add3A_131 = arith.addi %iota3A, %add3A_130 : vector<16xi32>
    tpu.vector_store_idx %arg5[%sub3A_128, %add3A_131], %broadcast_in_dim3A_8 masked %and3A_125 : memref<200x128xi32, #tpu.memory_space<vmem>>[vector<16xi32>, vector<16xi32>], vector<16xi32>, vector<16xi1>
    %get3A_132 = arith.constant 0 : i32
    %get3A_133 = arith.index_cast %get3A_132 : i32 to index
    %get3A_134 = arith.constant 112 : index
    %get3A_135 = tpu.vector_load %arg4[%get3A_133, %get3A_134] {strides = array<i32>} : memref<20x128xi32, #tpu.memory_space<vmem>>, vector<16xi32>,
    %ge3A_136 = arith.constant 0 : i32
    %ge3A_137 = vector.broadcast %ge3A_136 : i32 to vector<16xi32>
    %ge3A_138 = arith.cmpi sge, %get3A_135, %ge3A_137 : vector<16xi32>
    %lt3A_139 = arith.constant 200 : i32
    %lt3A_140 = vector.broadcast %lt3A_139 : i32 to vector<16xi32>
    %lt3A_141 = arith.cmpi slt, %get3A_135, %lt3A_140 : vector<16xi32>
    %and3A_142 = arith.andi %ge3A_138, %lt3A_141 : vector<16xi1>
    %sub3A_143 = arith.constant 0 : i32
    %sub3A_144 = vector.broadcast %sub3A_143 : i32 to vector<16xi32>
    %sub3A_145 = arith.subi %get3A_135, %sub3A_144 : vector<16xi32>
    %add3A_146 = arith.constant 112 : i32
    %add3A_147 = vector.broadcast %add3A_146 : i32 to vector<16xi32>
    %add3A_148 = arith.addi %iota3A, %add3A_147 : vector<16xi32>
    tpu.vector_store_idx %arg5[%sub3A_145, %add3A_148], %broadcast_in_dim3A_8 masked %and3A_142 : memref<200x128xi32, #tpu.memory_space<vmem>>[vector<16xi32>, vector<16xi32>], vector<16xi32>, vector<16xi1>
    %dma_start3A_149 = arith.constant 0 : i32
    %dma_start3A_150 = arith.constant 0 : i32
    %dma_start3A_151 = tpu.memref_slice %arg3[%dma_start3A_149, %dma_start3A_150, %mul3A_2] : memref<20x1000x4096xi32, #tpu.memory_space<hbm>> -> memref<1x200x128xi32, #tpu.memory_space<hbm>>
    %dma_start3A_152 = tpu.memref_squeeze %dma_start3A_151 : memref<1x200x128xi32, #tpu.memory_space<hbm>> -> memref<200x128xi32, #tpu.memory_space<hbm>>
    %dma_start3A_153 = arith.constant 0 : i32
    %dma_start3A_154 = tpu.memref_slice %arg3[%dma_start3A_149, %dma_start3A_153, %mul3A_2] : memref<20x1000x4096xi32, #tpu.memory_space<hbm>> -> memref<1x200x128xi32, #tpu.memory_space<hbm>>
    %dma_start3A_155 = tpu.memref_squeeze %dma_start3A_154 : memref<1x200x128xi32, #tpu.memory_space<hbm>> -> memref<200x128xi32, #tpu.memory_space<hbm>>
    tpu.enqueue_dma source(%arg5 : memref<200x128xi32, #tpu.memory_space<vmem>>) target(%dma_start3A_155 : memref<200x128xi32, #tpu.memory_space<hbm>>) target_semaphore(%arg7 : memref<!tpu.dma_semaphore, #tpu.memory_space<semaphore_mem>>)
    %scan3A_156 = arith.constant 0 : i32
    %scan3A_157 = arith.constant 0 : i32
    %scan3A_158 = arith.constant 100 : i32
    %scan3A_159 = arith.addi %scan3A_157, %scan3A_158 : i32
    %scan3A_160 = arith.constant 1 : i32
    %scan3A_161 = scf.for %scan3A_327 = %scan3A_157 to %scan3A_159 step %scan3A_160 iter_args(%scan3A_328 = %scan3A_156) -> (i32)  : i32 {
      %swap3A = arith.index_cast %scan3A_327 : i32 to index
      %swap3A_329 = arith.constant 0 : index
      %swap3A_330 = tpu.vector_load %arg6[%swap3A, %swap3A_329] {strides = array<i32>} : memref<200x128xi32, #tpu.memory_space<vmem>>, vector<16xi32>,
      tpu.vector_store %arg6[%swap3A, %swap3A_329], %broadcast_in_dim3A_6 {strides = array<i32>} : memref<200x128xi32, #tpu.memory_space<vmem>>, vector<16xi32>,
      %add3A_331 = arith.constant 100 : i32
      %add3A_332 = arith.addi %scan3A_327, %add3A_331 : i32
      %swap3A_333 = arith.index_cast %add3A_332 : i32 to index
      %swap3A_334 = arith.constant 0 : index
      %swap3A_335 = tpu.vector_load %arg6[%swap3A_333, %swap3A_334] {strides = array<i32>} : memref<200x128xi32, #tpu.memory_space<vmem>>, vector<16xi32>,
      tpu.vector_store %arg6[%swap3A_333, %swap3A_334], %broadcast_in_dim3A_6 {strides = array<i32>} : memref<200x128xi32, #tpu.memory_space<vmem>>, vector<16xi32>,
      %swap3A_336 = arith.index_cast %scan3A_327 : i32 to index
      %swap3A_337 = arith.constant 16 : index
      %swap3A_338 = tpu.vector_load %arg6[%swap3A_336, %swap3A_337] {strides = array<i32>} : memref<200x128xi32, #tpu.memory_space<vmem>>, vector<16xi32>,
      tpu.vector_store %arg6[%swap3A_336, %swap3A_337], %broadcast_in_dim3A_6 {strides = array<i32>} : memref<200x128xi32, #tpu.memory_space<vmem>>, vector<16xi32>,
      %add3A_339 = arith.constant 100 : i32
      %add3A_340 = arith.addi %scan3A_327, %add3A_339 : i32
      %swap3A_341 = arith.index_cast %add3A_340 : i32 to index
      %swap3A_342 = arith.constant 16 : index
      %swap3A_343 = tpu.vector_load %arg6[%swap3A_341, %swap3A_342] {strides = array<i32>} : memref<200x128xi32, #tpu.memory_space<vmem>>, vector<16xi32>,
      tpu.vector_store %arg6[%swap3A_341, %swap3A_342], %broadcast_in_dim3A_6 {strides = array<i32>} : memref<200x128xi32, #tpu.memory_space<vmem>>, vector<16xi32>,
      %swap3A_344 = arith.index_cast %scan3A_327 : i32 to index
      %swap3A_345 = arith.constant 32 : index
      %swap3A_346 = tpu.vector_load %arg6[%swap3A_344, %swap3A_345] {strides = array<i32>} : memref<200x128xi32, #tpu.memory_space<vmem>>, vector<16xi32>,
      tpu.vector_store %arg6[%swap3A_344, %swap3A_345], %broadcast_in_dim3A_6 {strides = array<i32>} : memref<200x128xi32, #tpu.memory_space<vmem>>, vector<16xi32>,
      %add3A_347 = arith.constant 100 : i32
      %add3A_348 = arith.addi %scan3A_327, %add3A_347 : i32
      %swap3A_349 = arith.index_cast %add3A_348 : i32 to index
      %swap3A_350 = arith.constant 32 : index
      %swap3A_351 = tpu.vector_load %arg6[%swap3A_349, %swap3A_350] {strides = array<i32>} : memref<200x128xi32, #tpu.memory_space<vmem>>, vector<16xi32>,
      tpu.vector_store %arg6[%swap3A_349, %swap3A_350], %broadcast_in_dim3A_6 {strides = array<i32>} : memref<200x128xi32, #tpu.memory_space<vmem>>, vector<16xi32>,
      %swap3A_352 = arith.index_cast %scan3A_327 : i32 to index
      %swap3A_353 = arith.constant 48 : index
      %swap3A_354 = tpu.vector_load %arg6[%swap3A_352, %swap3A_353] {strides = array<i32>} : memref<200x128xi32, #tpu.memory_space<vmem>>, vector<16xi32>,
      tpu.vector_store %arg6[%swap3A_352, %swap3A_353], %broadcast_in_dim3A_6 {strides = array<i32>} : memref<200x128xi32, #tpu.memory_space<vmem>>, vector<16xi32>,
      %add3A_355 = arith.constant 100 : i32
      %add3A_356 = arith.addi %scan3A_327, %add3A_355 : i32
      %swap3A_357 = arith.index_cast %add3A_356 : i32 to index
      %swap3A_358 = arith.constant 48 : index
      %swap3A_359 = tpu.vector_load %arg6[%swap3A_357, %swap3A_358] {strides = array<i32>} : memref<200x128xi32, #tpu.memory_space<vmem>>, vector<16xi32>,
      tpu.vector_store %arg6[%swap3A_357, %swap3A_358], %broadcast_in_dim3A_6 {strides = array<i32>} : memref<200x128xi32, #tpu.memory_space<vmem>>, vector<16xi32>,
      %swap3A_360 = arith.index_cast %scan3A_327 : i32 to index
      %swap3A_361 = arith.constant 64 : index
      %swap3A_362 = tpu.vector_load %arg6[%swap3A_360, %swap3A_361] {strides = array<i32>} : memref<200x128xi32, #tpu.memory_space<vmem>>, vector<16xi32>,
      tpu.vector_store %arg6[%swap3A_360, %swap3A_361], %broadcast_in_dim3A_6 {strides = array<i32>} : memref<200x128xi32, #tpu.memory_space<vmem>>, vector<16xi32>,
      %add3A_363 = arith.constant 100 : i32
      %add3A_364 = arith.addi %scan3A_327, %add3A_363 : i32
      %swap3A_365 = arith.index_cast %add3A_364 : i32 to index
      %swap3A_366 = arith.constant 64 : index
      %swap3A_367 = tpu.vector_load %arg6[%swap3A_365, %swap3A_366] {strides = array<i32>} : memref<200x128xi32, #tpu.memory_space<vmem>>, vector<16xi32>,
      tpu.vector_store %arg6[%swap3A_365, %swap3A_366], %broadcast_in_dim3A_6 {strides = array<i32>} : memref<200x128xi32, #tpu.memory_space<vmem>>, vector<16xi32>,
      %swap3A_368 = arith.index_cast %scan3A_327 : i32 to index
      %swap3A_369 = arith.constant 80 : index
      %swap3A_370 = tpu.vector_load %arg6[%swap3A_368, %swap3A_369] {strides = array<i32>} : memref<200x128xi32, #tpu.memory_space<vmem>>, vector<16xi32>,
      tpu.vector_store %arg6[%swap3A_368, %swap3A_369], %broadcast_in_dim3A_6 {strides = array<i32>} : memref<200x128xi32, #tpu.memory_space<vmem>>, vector<16xi32>,
      %add3A_371 = arith.constant 100 : i32
      %add3A_372 = arith.addi %scan3A_327, %add3A_371 : i32
      %swap3A_373 = arith.index_cast %add3A_372 : i32 to index
      %swap3A_374 = arith.constant 80 : index
      %swap3A_375 = tpu.vector_load %arg6[%swap3A_373, %swap3A_374] {strides = array<i32>} : memref<200x128xi32, #tpu.memory_space<vmem>>, vector<16xi32>,
      tpu.vector_store %arg6[%swap3A_373, %swap3A_374], %broadcast_in_dim3A_6 {strides = array<i32>} : memref<200x128xi32, #tpu.memory_space<vmem>>, vector<16xi32>,
      %swap3A_376 = arith.index_cast %scan3A_327 : i32 to index
      %swap3A_377 = arith.constant 96 : index
      %swap3A_378 = tpu.vector_load %arg6[%swap3A_376, %swap3A_377] {strides = array<i32>} : memref<200x128xi32, #tpu.memory_space<vmem>>, vector<16xi32>,
      tpu.vector_store %arg6[%swap3A_376, %swap3A_377], %broadcast_in_dim3A_6 {strides = array<i32>} : memref<200x128xi32, #tpu.memory_space<vmem>>, vector<16xi32>,
      %add3A_379 = arith.constant 100 : i32
      %add3A_380 = arith.addi %scan3A_327, %add3A_379 : i32
      %swap3A_381 = arith.index_cast %add3A_380 : i32 to index
      %swap3A_382 = arith.constant 96 : index
      %swap3A_383 = tpu.vector_load %arg6[%swap3A_381, %swap3A_382] {strides = array<i32>} : memref<200x128xi32, #tpu.memory_space<vmem>>, vector<16xi32>,
      tpu.vector_store %arg6[%swap3A_381, %swap3A_382], %broadcast_in_dim3A_6 {strides = array<i32>} : memref<200x128xi32, #tpu.memory_space<vmem>>, vector<16xi32>,
      %swap3A_384 = arith.index_cast %scan3A_327 : i32 to index
      %swap3A_385 = arith.constant 112 : index
      %swap3A_386 = tpu.vector_load %arg6[%swap3A_384, %swap3A_385] {strides = array<i32>} : memref<200x128xi32, #tpu.memory_space<vmem>>, vector<16xi32>,
      tpu.vector_store %arg6[%swap3A_384, %swap3A_385], %broadcast_in_dim3A_6 {strides = array<i32>} : memref<200x128xi32, #tpu.memory_space<vmem>>, vector<16xi32>,
      %add3A_387 = arith.constant 100 : i32
      %add3A_388 = arith.addi %scan3A_327, %add3A_387 : i32
      %swap3A_389 = arith.index_cast %add3A_388 : i32 to index
      %swap3A_390 = arith.constant 112 : index
      %swap3A_391 = tpu.vector_load %arg6[%swap3A_389, %swap3A_390] {strides = array<i32>} : memref<200x128xi32, #tpu.memory_space<vmem>>, vector<16xi32>,
      tpu.vector_store %arg6[%swap3A_389, %swap3A_390], %broadcast_in_dim3A_6 {strides = array<i32>} : memref<200x128xi32, #tpu.memory_space<vmem>>, vector<16xi32>,
      %scan3A_392 = arith.constant 0 : i32
      scf.yield %scan3A_392 : i32
    }
    %scan3A_162 = arith.constant 100 : i32
    %get3A_163 = arith.constant 0 : i32
    %get3A_164 = arith.index_cast %get3A_163 : i32 to index
    %get3A_165 = arith.constant 0 : index
    %get3A_166 = tpu.vector_load %arg4[%get3A_164, %get3A_165] {strides = array<i32>} : memref<20x128xi32, #tpu.memory_space<vmem>>, vector<16xi32>,
    %ge3A_167 = arith.constant 200 : i32
    %ge3A_168 = vector.broadcast %ge3A_167 : i32 to vector<16xi32>
    %ge3A_169 = arith.cmpi sge, %get3A_166, %ge3A_168 : vector<16xi32>
    %lt3A_170 = arith.constant 400 : i32
    %lt3A_171 = vector.broadcast %lt3A_170 : i32 to vector<16xi32>
    %lt3A_172 = arith.cmpi slt, %get3A_166, %lt3A_171 : vector<16xi32>
    %and3A_173 = arith.andi %ge3A_169, %lt3A_172 : vector<16xi1>
    %sub3A_174 = arith.constant 200 : i32
    %sub3A_175 = vector.broadcast %sub3A_174 : i32 to vector<16xi32>
    %sub3A_176 = arith.subi %get3A_166, %sub3A_175 : vector<16xi32>
    %add3A_177 = arith.constant 0 : i32
    %add3A_178 = vector.broadcast %add3A_177 : i32 to vector<16xi32>
    %add3A_179 = arith.addi %iota3A, %add3A_178 : vector<16xi32>
    tpu.vector_store_idx %arg6[%sub3A_176, %add3A_179], %broadcast_in_dim3A_8 masked %and3A_173 : memref<200x128xi32, #tpu.memory_space<vmem>>[vector<16xi32>, vector<16xi32>], vector<16xi32>, vector<16xi1>
    %get3A_180 = arith.constant 0 : i32
    %get3A_181 = arith.index_cast %get3A_180 : i32 to index
    %get3A_182 = arith.constant 16 : index
    %get3A_183 = tpu.vector_load %arg4[%get3A_181, %get3A_182] {strides = array<i32>} : memref<20x128xi32, #tpu.memory_space<vmem>>, vector<16xi32>,
    %ge3A_184 = arith.constant 200 : i32
    %ge3A_185 = vector.broadcast %ge3A_184 : i32 to vector<16xi32>
    %ge3A_186 = arith.cmpi sge, %get3A_183, %ge3A_185 : vector<16xi32>
    %lt3A_187 = arith.constant 400 : i32
    %lt3A_188 = vector.broadcast %lt3A_187 : i32 to vector<16xi32>
    %lt3A_189 = arith.cmpi slt, %get3A_183, %lt3A_188 : vector<16xi32>
    %and3A_190 = arith.andi %ge3A_186, %lt3A_189 : vector<16xi1>
    %sub3A_191 = arith.constant 200 : i32
    %sub3A_192 = vector.broadcast %sub3A_191 : i32 to vector<16xi32>
    %sub3A_193 = arith.subi %get3A_183, %sub3A_192 : vector<16xi32>
    %add3A_194 = arith.constant 16 : i32
    %add3A_195 = vector.broadcast %add3A_194 : i32 to vector<16xi32>
    %add3A_196 = arith.addi %iota3A, %add3A_195 : vector<16xi32>
    tpu.vector_store_idx %arg6[%sub3A_193, %add3A_196], %broadcast_in_dim3A_8 masked %and3A_190 : memref<200x128xi32, #tpu.memory_space<vmem>>[vector<16xi32>, vector<16xi32>], vector<16xi32>, vector<16xi1>
    %get3A_197 = arith.constant 0 : i32
    %get3A_198 = arith.index_cast %get3A_197 : i32 to index
    %get3A_199 = arith.constant 32 : index
    %get3A_200 = tpu.vector_load %arg4[%get3A_198, %get3A_199] {strides = array<i32>} : memref<20x128xi32, #tpu.memory_space<vmem>>, vector<16xi32>,
    %ge3A_201 = arith.constant 200 : i32
    %ge3A_202 = vector.broadcast %ge3A_201 : i32 to vector<16xi32>
    %ge3A_203 = arith.cmpi sge, %get3A_200, %ge3A_202 : vector<16xi32>
    %lt3A_204 = arith.constant 400 : i32
    %lt3A_205 = vector.broadcast %lt3A_204 : i32 to vector<16xi32>
    %lt3A_206 = arith.cmpi slt, %get3A_200, %lt3A_205 : vector<16xi32>
    %and3A_207 = arith.andi %ge3A_203, %lt3A_206 : vector<16xi1>
    %sub3A_208 = arith.constant 200 : i32
    %sub3A_209 = vector.broadcast %sub3A_208 : i32 to vector<16xi32>
    %sub3A_210 = arith.subi %get3A_200, %sub3A_209 : vector<16xi32>
    %add3A_211 = arith.constant 32 : i32
    %add3A_212 = vector.broadcast %add3A_211 : i32 to vector<16xi32>
    %add3A_213 = arith.addi %iota3A, %add3A_212 : vector<16xi32>
    tpu.vector_store_idx %arg6[%sub3A_210, %add3A_213], %broadcast_in_dim3A_8 masked %and3A_207 : memref<200x128xi32, #tpu.memory_space<vmem>>[vector<16xi32>, vector<16xi32>], vector<16xi32>, vector<16xi1>
    %get3A_214 = arith.constant 0 : i32
    %get3A_215 = arith.index_cast %get3A_214 : i32 to index
    %get3A_216 = arith.constant 48 : index
    %get3A_217 = tpu.vector_load %arg4[%get3A_215, %get3A_216] {strides = array<i32>} : memref<20x128xi32, #tpu.memory_space<vmem>>, vector<16xi32>,
    %ge3A_218 = arith.constant 200 : i32
    %ge3A_219 = vector.broadcast %ge3A_218 : i32 to vector<16xi32>
    %ge3A_220 = arith.cmpi sge, %get3A_217, %ge3A_219 : vector<16xi32>
    %lt3A_221 = arith.constant 400 : i32
    %lt3A_222 = vector.broadcast %lt3A_221 : i32 to vector<16xi32>
    %lt3A_223 = arith.cmpi slt, %get3A_217, %lt3A_222 : vector<16xi32>
    %and3A_224 = arith.andi %ge3A_220, %lt3A_223 : vector<16xi1>
    %sub3A_225 = arith.constant 200 : i32
    %sub3A_226 = vector.broadcast %sub3A_225 : i32 to vector<16xi32>
    %sub3A_227 = arith.subi %get3A_217, %sub3A_226 : vector<16xi32>
    %add3A_228 = arith.constant 48 : i32
    %add3A_229 = vector.broadcast %add3A_228 : i32 to vector<16xi32>
    %add3A_230 = arith.addi %iota3A, %add3A_229 : vector<16xi32>
    tpu.vector_store_idx %arg6[%sub3A_227, %add3A_230], %broadcast_in_dim3A_8 masked %and3A_224 : memref<200x128xi32, #tpu.memory_space<vmem>>[vector<16xi32>, vector<16xi32>], vector<16xi32>, vector<16xi1>
    %get3A_231 = arith.constant 0 : i32
    %get3A_232 = arith.index_cast %get3A_231 : i32 to index
    %get3A_233 = arith.constant 64 : index
    %get3A_234 = tpu.vector_load %arg4[%get3A_232, %get3A_233] {strides = array<i32>} : memref<20x128xi32, #tpu.memory_space<vmem>>, vector<16xi32>,
    %ge3A_235 = arith.constant 200 : i32
    %ge3A_236 = vector.broadcast %ge3A_235 : i32 to vector<16xi32>
    %ge3A_237 = arith.cmpi sge, %get3A_234, %ge3A_236 : vector<16xi32>
    %lt3A_238 = arith.constant 400 : i32
    %lt3A_239 = vector.broadcast %lt3A_238 : i32 to vector<16xi32>
    %lt3A_240 = arith.cmpi slt, %get3A_234, %lt3A_239 : vector<16xi32>
    %and3A_241 = arith.andi %ge3A_237, %lt3A_240 : vector<16xi1>
    %sub3A_242 = arith.constant 200 : i32
    %sub3A_243 = vector.broadcast %sub3A_242 : i32 to vector<16xi32>
    %sub3A_244 = arith.subi %get3A_234, %sub3A_243 : vector<16xi32>
    %add3A_245 = arith.constant 64 : i32
    %add3A_246 = vector.broadcast %add3A_245 : i32 to vector<16xi32>
    %add3A_247 = arith.addi %iota3A, %add3A_246 : vector<16xi32>
    tpu.vector_store_idx %arg6[%sub3A_244, %add3A_247], %broadcast_in_dim3A_8 masked %and3A_241 : memref<200x128xi32, #tpu.memory_space<vmem>>[vector<16xi32>, vector<16xi32>], vector<16xi32>, vector<16xi1>
    %get3A_248 = arith.constant 0 : i32
    %get3A_249 = arith.index_cast %get3A_248 : i32 to index
    %get3A_250 = arith.constant 80 : index
    %get3A_251 = tpu.vector_load %arg4[%get3A_249, %get3A_250] {strides = array<i32>} : memref<20x128xi32, #tpu.memory_space<vmem>>, vector<16xi32>,
    %ge3A_252 = arith.constant 200 : i32
    %ge3A_253 = vector.broadcast %ge3A_252 : i32 to vector<16xi32>
    %ge3A_254 = arith.cmpi sge, %get3A_251, %ge3A_253 : vector<16xi32>
    %lt3A_255 = arith.constant 400 : i32
    %lt3A_256 = vector.broadcast %lt3A_255 : i32 to vector<16xi32>
    %lt3A_257 = arith.cmpi slt, %get3A_251, %lt3A_256 : vector<16xi32>
    %and3A_258 = arith.andi %ge3A_254, %lt3A_257 : vector<16xi1>
    %sub3A_259 = arith.constant 200 : i32
    %sub3A_260 = vector.broadcast %sub3A_259 : i32 to vector<16xi32>
    %sub3A_261 = arith.subi %get3A_251, %sub3A_260 : vector<16xi32>
    %add3A_262 = arith.constant 80 : i32
    %add3A_263 = vector.broadcast %add3A_262 : i32 to vector<16xi32>
    %add3A_264 = arith.addi %iota3A, %add3A_263 : vector<16xi32>
    tpu.vector_store_idx %arg6[%sub3A_261, %add3A_264], %broadcast_in_dim3A_8 masked %and3A_258 : memref<200x128xi32, #tpu.memory_space<vmem>>[vector<16xi32>, vector<16xi32>], vector<16xi32>, vector<16xi1>
    %get3A_265 = arith.constant 0 : i32
    %get3A_266 = arith.index_cast %get3A_265 : i32 to index
    %get3A_267 = arith.constant 96 : index
    %get3A_268 = tpu.vector_load %arg4[%get3A_266, %get3A_267] {strides = array<i32>} : memref<20x128xi32, #tpu.memory_space<vmem>>, vector<16xi32>,
    %ge3A_269 = arith.constant 200 : i32
    %ge3A_270 = vector.broadcast %ge3A_269 : i32 to vector<16xi32>
    %ge3A_271 = arith.cmpi sge, %get3A_268, %ge3A_270 : vector<16xi32>
    %lt3A_272 = arith.constant 400 : i32
    %lt3A_273 = vector.broadcast %lt3A_272 : i32 to vector<16xi32>
    %lt3A_274 = arith.cmpi slt, %get3A_268, %lt3A_273 : vector<16xi32>
    %and3A_275 = arith.andi %ge3A_271, %lt3A_274 : vector<16xi1>
    %sub3A_276 = arith.constant 200 : i32
    %sub3A_277 = vector.broadcast %sub3A_276 : i32 to vector<16xi32>
    %sub3A_278 = arith.subi %get3A_268, %sub3A_277 : vector<16xi32>
    %add3A_279 = arith.constant 96 : i32
    %add3A_280 = vector.broadcast %add3A_279 : i32 to vector<16xi32>
    %add3A_281 = arith.addi %iota3A, %add3A_280 : vector<16xi32>
    tpu.vector_store_idx %arg6[%sub3A_278, %add3A_281], %broadcast_in_dim3A_8 masked %and3A_275 : memref<200x128xi32, #tpu.memory_space<vmem>>[vector<16xi32>, vector<16xi32>], vector<16xi32>, vector<16xi1>
    %get3A_282 = arith.constant 0 : i32
    %get3A_283 = arith.index_cast %get3A_282 : i32 to index
    %get3A_284 = arith.constant 112 : index
    %get3A_285 = tpu.vector_load %arg4[%get3A_283, %get3A_284] {strides = array<i32>} : memref<20x128xi32, #tpu.memory_space<vmem>>, vector<16xi32>,
    %ge3A_286 = arith.constant 200 : i32
    %ge3A_287 = vector.broadcast %ge3A_286 : i32 to vector<16xi32>
    %ge3A_288 = arith.cmpi sge, %get3A_285, %ge3A_287 : vector<16xi32>
    %lt3A_289 = arith.constant 400 : i32
    %lt3A_290 = vector.broadcast %lt3A_289 : i32 to vector<16xi32>
    %lt3A_291 = arith.cmpi slt, %get3A_285, %lt3A_290 : vector<16xi32>
    %and3A_292 = arith.andi %ge3A_288, %lt3A_291 : vector<16xi1>
    %sub3A_293 = arith.constant 200 : i32
    %sub3A_294 = vector.broadcast %sub3A_293 : i32 to vector<16xi32>
    %sub3A_295 = arith.subi %get3A_285, %sub3A_294 : vector<16xi32>
    %add3A_296 = arith.constant 112 : i32
    %add3A_297 = vector.broadcast %add3A_296 : i32 to vector<16xi32>
    %add3A_298 = arith.addi %iota3A, %add3A_297 : vector<16xi32>
    tpu.vector_store_idx %arg6[%sub3A_295, %add3A_298], %broadcast_in_dim3A_8 masked %and3A_292 : memref<200x128xi32, #tpu.memory_space<vmem>>[vector<16xi32>, vector<16xi32>], vector<16xi32>, vector<16xi1>
    %dma_start3A_299 = arith.constant 0 : i32
    %dma_start3A_300 = arith.constant 200 : i32
    %dma_start3A_301 = tpu.memref_slice %arg3[%dma_start3A_299, %dma_start3A_300, %mul3A_2] : memref<20x1000x4096xi32, #tpu.memory_space<hbm>> -> memref<1x200x128xi32, #tpu.memory_space<hbm>>
    %dma_start3A_302 = tpu.memref_squeeze %dma_start3A_301 : memref<1x200x128xi32, #tpu.memory_space<hbm>> -> memref<200x128xi32, #tpu.memory_space<hbm>>
    %dma_start3A_303 = arith.constant 200 : i32
    %dma_start3A_304 = tpu.memref_slice %arg3[%dma_start3A_299, %dma_start3A_303, %mul3A_2] : memref<20x1000x4096xi32, #tpu.memory_space<hbm>> -> memref<1x200x128xi32, #tpu.memory_space<hbm>>
    %dma_start3A_305 = tpu.memref_squeeze %dma_start3A_304 : memref<1x200x128xi32, #tpu.memory_space<hbm>> -> memref<200x128xi32, #tpu.memory_space<hbm>>
    tpu.enqueue_dma source(%arg6 : memref<200x128xi32, #tpu.memory_space<vmem>>) target(%dma_start3A_305 : memref<200x128xi32, #tpu.memory_space<hbm>>) target_semaphore(%arg8 : memref<!tpu.dma_semaphore, #tpu.memory_space<semaphore_mem>>)
    %scan3A_306 = arith.constant 0 : i32
    %scan3A_307 = arith.constant 1 : i32
    %scan3A_308 = arith.constant 49 : i32
    %scan3A_309 = arith.addi %scan3A_307, %scan3A_308 : i32
    %scan3A_310 = arith.constant 1 : i32
    %scan3A_311 = scf.for %scan3A_327 = %scan3A_307 to %scan3A_309 step %scan3A_310 iter_args(%scan3A_328 = %scan3A_306) -> (i32)  : i32 {
      %mul3A_329 = arith.constant 2 : i32
      %mul3A_330 = arith.muli %scan3A_327, %mul3A_329 : i32
      %add3A_331 = arith.constant 0 : i32
      %add3A_332 = arith.addi %mul3A_330, %add3A_331 : i32
      %jit3A = arith.constant 5 : i32
      %div3A = arith.divsi %add3A_332, %jit3A : i32
      %sign3A = arith.constant 0 : i32
      %sign3A_333 = arith.cmpi sgt, %add3A_332, %sign3A : i32
      %sign3A_334 = arith.extui %sign3A_333 : i1 to i32
      %sign3A_335 = arith.constant 0 : i32
      %sign3A_336 = arith.cmpi slt, %add3A_332, %sign3A_335 : i32
      %sign3A_337 = arith.extui %sign3A_336 : i1 to i32
      %sign3A_338 = arith.subi %sign3A_334, %sign3A_337 : i32
      %sign3A_339 = arith.constant 0 : i32
      %sign3A_340 = arith.cmpi sgt, %jit3A, %sign3A_339 : i32
      %sign3A_341 = arith.extui %sign3A_340 : i1 to i32
      %sign3A_342 = arith.constant 0 : i32
      %sign3A_343 = arith.cmpi slt, %jit3A, %sign3A_342 : i32
      %sign3A_344 = arith.extui %sign3A_343 : i1 to i32
      %sign3A_345 = arith.subi %sign3A_341, %sign3A_344 : i32
      %ne3A = arith.cmpi ne, %sign3A_338, %sign3A_345 : i32
      %rem3A = arith.remsi %add3A_332, %jit3A : i32
      %ne3A_346 = arith.constant 0 : i32
      %ne3A_347 = arith.cmpi ne, %rem3A, %ne3A_346 : i32
      %and3A_348 = arith.andi %ne3A, %ne3A_347 : i1
      %sub3A_349 = arith.constant 1 : i32
      %sub3A_350 = arith.subi %div3A, %sub3A_349 : i32
      %select_n3A = arith.select %and3A_348, %sub3A_350, %div3A : i32
      %mul3A_351 = arith.constant 5 : i32
      %mul3A_352 = arith.muli %select_n3A, %mul3A_351 : i32
      %sub3A_353 = arith.subi %add3A_332, %mul3A_352 : i32
      %mul3A_354 = arith.constant 200 : i32
      %mul3A_355 = arith.muli %sub3A_353, %mul3A_354 : i32
      %dma_wait3A_356 = tpu.memref_slice %arg3[%select_n3A, %mul3A_355, %mul3A_2] : memref<20x1000x4096xi32, #tpu.memory_space<hbm>> -> memref<1x200x128xi32, #tpu.memory_space<hbm>>
      %dma_wait3A_357 = tpu.memref_squeeze %dma_wait3A_356 : memref<1x200x128xi32, #tpu.memory_space<hbm>> -> memref<200x128xi32, #tpu.memory_space<hbm>>
      %dma_wait3A_358 = tpu.memref_slice %arg3[%select_n3A, %mul3A_355, %mul3A_2] : memref<20x1000x4096xi32, #tpu.memory_space<hbm>> -> memref<1x200x128xi32, #tpu.memory_space<hbm>>
      %dma_wait3A_359 = tpu.memref_squeeze %dma_wait3A_358 : memref<1x200x128xi32, #tpu.memory_space<hbm>> -> memref<200x128xi32, #tpu.memory_space<hbm>>
      tpu.wait_dma2 semaphore(%arg7 : memref<!tpu.dma_semaphore, #tpu.memory_space<semaphore_mem>>) src(%arg5 : memref<200x128xi32, #tpu.memory_space<vmem>>) dst(%dma_wait3A_359 : memref<200x128xi32, #tpu.memory_space<hbm>>)
      %sub3A_360 = arith.constant 2 : i32
      %sub3A_361 = arith.subi %add3A_332, %sub3A_360 : i32
      %jit3A_362 = arith.constant 5 : i32
      %div3A_363 = arith.divsi %sub3A_361, %jit3A_362 : i32
      %sign3A_364 = arith.constant 0 : i32
      %sign3A_365 = arith.cmpi sgt, %sub3A_361, %sign3A_364 : i32
      %sign3A_366 = arith.extui %sign3A_365 : i1 to i32
      %sign3A_367 = arith.constant 0 : i32
      %sign3A_368 = arith.cmpi slt, %sub3A_361, %sign3A_367 : i32
      %sign3A_369 = arith.extui %sign3A_368 : i1 to i32
      %sign3A_370 = arith.subi %sign3A_366, %sign3A_369 : i32
      %sign3A_371 = arith.constant 0 : i32
      %sign3A_372 = arith.cmpi sgt, %jit3A_362, %sign3A_371 : i32
      %sign3A_373 = arith.extui %sign3A_372 : i1 to i32
      %sign3A_374 = arith.constant 0 : i32
      %sign3A_375 = arith.cmpi slt, %jit3A_362, %sign3A_374 : i32
      %sign3A_376 = arith.extui %sign3A_375 : i1 to i32
      %sign3A_377 = arith.subi %sign3A_373, %sign3A_376 : i32
      %ne3A_378 = arith.cmpi ne, %sign3A_370, %sign3A_377 : i32
      %rem3A_379 = arith.remsi %sub3A_361, %jit3A_362 : i32
      %ne3A_380 = arith.constant 0 : i32
      %ne3A_381 = arith.cmpi ne, %rem3A_379, %ne3A_380 : i32
      %and3A_382 = arith.andi %ne3A_378, %ne3A_381 : i1
      %sub3A_383 = arith.constant 1 : i32
      %sub3A_384 = arith.subi %div3A_363, %sub3A_383 : i32
      %select_n3A_385 = arith.select %and3A_382, %sub3A_384, %div3A_363 : i32
      %mul3A_386 = arith.constant 5 : i32
      %mul3A_387 = arith.muli %select_n3A_385, %mul3A_386 : i32
      %sub3A_388 = arith.subi %sub3A_361, %mul3A_387 : i32
      %mul3A_389 = arith.constant 200 : i32
      %mul3A_390 = arith.muli %sub3A_388, %mul3A_389 : i32
      %get3A_391 = arith.index_cast %select_n3A_385 : i32 to index
      %get3A_392 = arith.constant 0 : index
      %get3A_393 = tpu.vector_load %arg4[%get3A_391, %get3A_392] {strides = array<i32>} : memref<20x128xi32, #tpu.memory_space<vmem>>, vector<16xi32>,
      %ge3A_394 = vector.broadcast %mul3A_390 : i32 to vector<16xi32>
      %ge3A_395 = arith.cmpi sge, %get3A_393, %ge3A_394 : vector<16xi32>
      %add3A_396 = arith.constant 200 : i32
      %add3A_397 = arith.addi %mul3A_390, %add3A_396 : i32
      %lt3A_398 = vector.broadcast %add3A_397 : i32 to vector<16xi32>
      %lt3A_399 = arith.cmpi slt, %get3A_393, %lt3A_398 : vector<16xi32>
      %and3A_400 = arith.andi %ge3A_395, %lt3A_399 : vector<16xi1>
      %sub3A_401 = vector.broadcast %mul3A_390 : i32 to vector<16xi32>
      %sub3A_402 = arith.subi %get3A_393, %sub3A_401 : vector<16xi32>
      %add3A_403 = arith.constant 0 : i32
      %add3A_404 = vector.broadcast %add3A_403 : i32 to vector<16xi32>
      %add3A_405 = arith.addi %iota3A, %add3A_404 : vector<16xi32>
      tpu.vector_store_idx %arg5[%sub3A_402, %add3A_405], %broadcast_in_dim3A_6 masked %and3A_400 : memref<200x128xi32, #tpu.memory_space<vmem>>[vector<16xi32>, vector<16xi32>], vector<16xi32>, vector<16xi1>
      %get3A_406 = arith.index_cast %select_n3A_385 : i32 to index
      %get3A_407 = arith.constant 16 : index
      %get3A_408 = tpu.vector_load %arg4[%get3A_406, %get3A_407] {strides = array<i32>} : memref<20x128xi32, #tpu.memory_space<vmem>>, vector<16xi32>,
      %ge3A_409 = vector.broadcast %mul3A_390 : i32 to vector<16xi32>
      %ge3A_410 = arith.cmpi sge, %get3A_408, %ge3A_409 : vector<16xi32>
      %add3A_411 = arith.constant 200 : i32
      %add3A_412 = arith.addi %mul3A_390, %add3A_411 : i32
      %lt3A_413 = vector.broadcast %add3A_412 : i32 to vector<16xi32>
      %lt3A_414 = arith.cmpi slt, %get3A_408, %lt3A_413 : vector<16xi32>
      %and3A_415 = arith.andi %ge3A_410, %lt3A_414 : vector<16xi1>
      %sub3A_416 = vector.broadcast %mul3A_390 : i32 to vector<16xi32>
      %sub3A_417 = arith.subi %get3A_408, %sub3A_416 : vector<16xi32>
      %add3A_418 = arith.constant 16 : i32
      %add3A_419 = vector.broadcast %add3A_418 : i32 to vector<16xi32>
      %add3A_420 = arith.addi %iota3A, %add3A_419 : vector<16xi32>
      tpu.vector_store_idx %arg5[%sub3A_417, %add3A_420], %broadcast_in_dim3A_6 masked %and3A_415 : memref<200x128xi32, #tpu.memory_space<vmem>>[vector<16xi32>, vector<16xi32>], vector<16xi32>, vector<16xi1>
      %get3A_421 = arith.index_cast %select_n3A_385 : i32 to index
      %get3A_422 = arith.constant 32 : index
      %get3A_423 = tpu.vector_load %arg4[%get3A_421, %get3A_422] {strides = array<i32>} : memref<20x128xi32, #tpu.memory_space<vmem>>, vector<16xi32>,
      %ge3A_424 = vector.broadcast %mul3A_390 : i32 to vector<16xi32>
      %ge3A_425 = arith.cmpi sge, %get3A_423, %ge3A_424 : vector<16xi32>
      %add3A_426 = arith.constant 200 : i32
      %add3A_427 = arith.addi %mul3A_390, %add3A_426 : i32
      %lt3A_428 = vector.broadcast %add3A_427 : i32 to vector<16xi32>
      %lt3A_429 = arith.cmpi slt, %get3A_423, %lt3A_428 : vector<16xi32>
      %and3A_430 = arith.andi %ge3A_425, %lt3A_429 : vector<16xi1>
      %sub3A_431 = vector.broadcast %mul3A_390 : i32 to vector<16xi32>
      %sub3A_432 = arith.subi %get3A_423, %sub3A_431 : vector<16xi32>
      %add3A_433 = arith.constant 32 : i32
      %add3A_434 = vector.broadcast %add3A_433 : i32 to vector<16xi32>
      %add3A_435 = arith.addi %iota3A, %add3A_434 : vector<16xi32>
      tpu.vector_store_idx %arg5[%sub3A_432, %add3A_435], %broadcast_in_dim3A_6 masked %and3A_430 : memref<200x128xi32, #tpu.memory_space<vmem>>[vector<16xi32>, vector<16xi32>], vector<16xi32>, vector<16xi1>
      %get3A_436 = arith.index_cast %select_n3A_385 : i32 to index
      %get3A_437 = arith.constant 48 : index
      %get3A_438 = tpu.vector_load %arg4[%get3A_436, %get3A_437] {strides = array<i32>} : memref<20x128xi32, #tpu.memory_space<vmem>>, vector<16xi32>,
      %ge3A_439 = vector.broadcast %mul3A_390 : i32 to vector<16xi32>
      %ge3A_440 = arith.cmpi sge, %get3A_438, %ge3A_439 : vector<16xi32>
      %add3A_441 = arith.constant 200 : i32
      %add3A_442 = arith.addi %mul3A_390, %add3A_441 : i32
      %lt3A_443 = vector.broadcast %add3A_442 : i32 to vector<16xi32>
      %lt3A_444 = arith.cmpi slt, %get3A_438, %lt3A_443 : vector<16xi32>
      %and3A_445 = arith.andi %ge3A_440, %lt3A_444 : vector<16xi1>
      %sub3A_446 = vector.broadcast %mul3A_390 : i32 to vector<16xi32>
      %sub3A_447 = arith.subi %get3A_438, %sub3A_446 : vector<16xi32>
      %add3A_448 = arith.constant 48 : i32
      %add3A_449 = vector.broadcast %add3A_448 : i32 to vector<16xi32>
      %add3A_450 = arith.addi %iota3A, %add3A_449 : vector<16xi32>
      tpu.vector_store_idx %arg5[%sub3A_447, %add3A_450], %broadcast_in_dim3A_6 masked %and3A_445 : memref<200x128xi32, #tpu.memory_space<vmem>>[vector<16xi32>, vector<16xi32>], vector<16xi32>, vector<16xi1>
      %get3A_451 = arith.index_cast %select_n3A_385 : i32 to index
      %get3A_452 = arith.constant 64 : index
      %get3A_453 = tpu.vector_load %arg4[%get3A_451, %get3A_452] {strides = array<i32>} : memref<20x128xi32, #tpu.memory_space<vmem>>, vector<16xi32>,
      %ge3A_454 = vector.broadcast %mul3A_390 : i32 to vector<16xi32>
      %ge3A_455 = arith.cmpi sge, %get3A_453, %ge3A_454 : vector<16xi32>
      %add3A_456 = arith.constant 200 : i32
      %add3A_457 = arith.addi %mul3A_390, %add3A_456 : i32
      %lt3A_458 = vector.broadcast %add3A_457 : i32 to vector<16xi32>
      %lt3A_459 = arith.cmpi slt, %get3A_453, %lt3A_458 : vector<16xi32>
      %and3A_460 = arith.andi %ge3A_455, %lt3A_459 : vector<16xi1>
      %sub3A_461 = vector.broadcast %mul3A_390 : i32 to vector<16xi32>
      %sub3A_462 = arith.subi %get3A_453, %sub3A_461 : vector<16xi32>
      %add3A_463 = arith.constant 64 : i32
      %add3A_464 = vector.broadcast %add3A_463 : i32 to vector<16xi32>
      %add3A_465 = arith.addi %iota3A, %add3A_464 : vector<16xi32>
      tpu.vector_store_idx %arg5[%sub3A_462, %add3A_465], %broadcast_in_dim3A_6 masked %and3A_460 : memref<200x128xi32, #tpu.memory_space<vmem>>[vector<16xi32>, vector<16xi32>], vector<16xi32>, vector<16xi1>
      %get3A_466 = arith.index_cast %select_n3A_385 : i32 to index
      %get3A_467 = arith.constant 80 : index
      %get3A_468 = tpu.vector_load %arg4[%get3A_466, %get3A_467] {strides = array<i32>} : memref<20x128xi32, #tpu.memory_space<vmem>>, vector<16xi32>,
      %ge3A_469 = vector.broadcast %mul3A_390 : i32 to vector<16xi32>
      %ge3A_470 = arith.cmpi sge, %get3A_468, %ge3A_469 : vector<16xi32>
      %add3A_471 = arith.constant 200 : i32
      %add3A_472 = arith.addi %mul3A_390, %add3A_471 : i32
      %lt3A_473 = vector.broadcast %add3A_472 : i32 to vector<16xi32>
      %lt3A_474 = arith.cmpi slt, %get3A_468, %lt3A_473 : vector<16xi32>
      %and3A_475 = arith.andi %ge3A_470, %lt3A_474 : vector<16xi1>
      %sub3A_476 = vector.broadcast %mul3A_390 : i32 to vector<16xi32>
      %sub3A_477 = arith.subi %get3A_468, %sub3A_476 : vector<16xi32>
      %add3A_478 = arith.constant 80 : i32
      %add3A_479 = vector.broadcast %add3A_478 : i32 to vector<16xi32>
      %add3A_480 = arith.addi %iota3A, %add3A_479 : vector<16xi32>
      tpu.vector_store_idx %arg5[%sub3A_477, %add3A_480], %broadcast_in_dim3A_6 masked %and3A_475 : memref<200x128xi32, #tpu.memory_space<vmem>>[vector<16xi32>, vector<16xi32>], vector<16xi32>, vector<16xi1>
      %get3A_481 = arith.index_cast %select_n3A_385 : i32 to index
      %get3A_482 = arith.constant 96 : index
      %get3A_483 = tpu.vector_load %arg4[%get3A_481, %get3A_482] {strides = array<i32>} : memref<20x128xi32, #tpu.memory_space<vmem>>, vector<16xi32>,
      %ge3A_484 = vector.broadcast %mul3A_390 : i32 to vector<16xi32>
      %ge3A_485 = arith.cmpi sge, %get3A_483, %ge3A_484 : vector<16xi32>
      %add3A_486 = arith.constant 200 : i32
      %add3A_487 = arith.addi %mul3A_390, %add3A_486 : i32
      %lt3A_488 = vector.broadcast %add3A_487 : i32 to vector<16xi32>
      %lt3A_489 = arith.cmpi slt, %get3A_483, %lt3A_488 : vector<16xi32>
      %and3A_490 = arith.andi %ge3A_485, %lt3A_489 : vector<16xi1>
      %sub3A_491 = vector.broadcast %mul3A_390 : i32 to vector<16xi32>
      %sub3A_492 = arith.subi %get3A_483, %sub3A_491 : vector<16xi32>
      %add3A_493 = arith.constant 96 : i32
      %add3A_494 = vector.broadcast %add3A_493 : i32 to vector<16xi32>
      %add3A_495 = arith.addi %iota3A, %add3A_494 : vector<16xi32>
      tpu.vector_store_idx %arg5[%sub3A_492, %add3A_495], %broadcast_in_dim3A_6 masked %and3A_490 : memref<200x128xi32, #tpu.memory_space<vmem>>[vector<16xi32>, vector<16xi32>], vector<16xi32>, vector<16xi1>
      %get3A_496 = arith.index_cast %select_n3A_385 : i32 to index
      %get3A_497 = arith.constant 112 : index
      %get3A_498 = tpu.vector_load %arg4[%get3A_496, %get3A_497] {strides = array<i32>} : memref<20x128xi32, #tpu.memory_space<vmem>>, vector<16xi32>,
      %ge3A_499 = vector.broadcast %mul3A_390 : i32 to vector<16xi32>
      %ge3A_500 = arith.cmpi sge, %get3A_498, %ge3A_499 : vector<16xi32>
      %add3A_501 = arith.constant 200 : i32
      %add3A_502 = arith.addi %mul3A_390, %add3A_501 : i32
      %lt3A_503 = vector.broadcast %add3A_502 : i32 to vector<16xi32>
      %lt3A_504 = arith.cmpi slt, %get3A_498, %lt3A_503 : vector<16xi32>
      %and3A_505 = arith.andi %ge3A_500, %lt3A_504 : vector<16xi1>
      %sub3A_506 = vector.broadcast %mul3A_390 : i32 to vector<16xi32>
      %sub3A_507 = arith.subi %get3A_498, %sub3A_506 : vector<16xi32>
      %add3A_508 = arith.constant 112 : i32
      %add3A_509 = vector.broadcast %add3A_508 : i32 to vector<16xi32>
      %add3A_510 = arith.addi %iota3A, %add3A_509 : vector<16xi32>
      tpu.vector_store_idx %arg5[%sub3A_507, %add3A_510], %broadcast_in_dim3A_6 masked %and3A_505 : memref<200x128xi32, #tpu.memory_space<vmem>>[vector<16xi32>, vector<16xi32>], vector<16xi32>, vector<16xi1>
      %get3A_511 = arith.index_cast %select_n3A : i32 to index
      %get3A_512 = arith.constant 0 : index
      %get3A_513 = tpu.vector_load %arg4[%get3A_511, %get3A_512] {strides = array<i32>} : memref<20x128xi32, #tpu.memory_space<vmem>>, vector<16xi32>,
      %ge3A_514 = vector.broadcast %mul3A_355 : i32 to vector<16xi32>
      %ge3A_515 = arith.cmpi sge, %get3A_513, %ge3A_514 : vector<16xi32>
      %add3A_516 = arith.constant 200 : i32
      %add3A_517 = arith.addi %mul3A_355, %add3A_516 : i32
      %lt3A_518 = vector.broadcast %add3A_517 : i32 to vector<16xi32>
      %lt3A_519 = arith.cmpi slt, %get3A_513, %lt3A_518 : vector<16xi32>
      %and3A_520 = arith.andi %ge3A_515, %lt3A_519 : vector<16xi1>
      %sub3A_521 = vector.broadcast %mul3A_355 : i32 to vector<16xi32>
      %sub3A_522 = arith.subi %get3A_513, %sub3A_521 : vector<16xi32>
      %add3A_523 = arith.constant 0 : i32
      %add3A_524 = vector.broadcast %add3A_523 : i32 to vector<16xi32>
      %add3A_525 = arith.addi %iota3A, %add3A_524 : vector<16xi32>
      tpu.vector_store_idx %arg5[%sub3A_522, %add3A_525], %broadcast_in_dim3A_8 masked %and3A_520 : memref<200x128xi32, #tpu.memory_space<vmem>>[vector<16xi32>, vector<16xi32>], vector<16xi32>, vector<16xi1>
      %get3A_526 = arith.index_cast %select_n3A : i32 to index
      %get3A_527 = arith.constant 16 : index
      %get3A_528 = tpu.vector_load %arg4[%get3A_526, %get3A_527] {strides = array<i32>} : memref<20x128xi32, #tpu.memory_space<vmem>>, vector<16xi32>,
      %ge3A_529 = vector.broadcast %mul3A_355 : i32 to vector<16xi32>
      %ge3A_530 = arith.cmpi sge, %get3A_528, %ge3A_529 : vector<16xi32>
      %add3A_531 = arith.constant 200 : i32
      %add3A_532 = arith.addi %mul3A_355, %add3A_531 : i32
      %lt3A_533 = vector.broadcast %add3A_532 : i32 to vector<16xi32>
      %lt3A_534 = arith.cmpi slt, %get3A_528, %lt3A_533 : vector<16xi32>
      %and3A_535 = arith.andi %ge3A_530, %lt3A_534 : vector<16xi1>
      %sub3A_536 = vector.broadcast %mul3A_355 : i32 to vector<16xi32>
      %sub3A_537 = arith.subi %get3A_528, %sub3A_536 : vector<16xi32>
      %add3A_538 = arith.constant 16 : i32
      %add3A_539 = vector.broadcast %add3A_538 : i32 to vector<16xi32>
      %add3A_540 = arith.addi %iota3A, %add3A_539 : vector<16xi32>
      tpu.vector_store_idx %arg5[%sub3A_537, %add3A_540], %broadcast_in_dim3A_8 masked %and3A_535 : memref<200x128xi32, #tpu.memory_space<vmem>>[vector<16xi32>, vector<16xi32>], vector<16xi32>, vector<16xi1>
      %get3A_541 = arith.index_cast %select_n3A : i32 to index
      %get3A_542 = arith.constant 32 : index
      %get3A_543 = tpu.vector_load %arg4[%get3A_541, %get3A_542] {strides = array<i32>} : memref<20x128xi32, #tpu.memory_space<vmem>>, vector<16xi32>,
      %ge3A_544 = vector.broadcast %mul3A_355 : i32 to vector<16xi32>
      %ge3A_545 = arith.cmpi sge, %get3A_543, %ge3A_544 : vector<16xi32>
      %add3A_546 = arith.constant 200 : i32
      %add3A_547 = arith.addi %mul3A_355, %add3A_546 : i32
      %lt3A_548 = vector.broadcast %add3A_547 : i32 to vector<16xi32>
      %lt3A_549 = arith.cmpi slt, %get3A_543, %lt3A_548 : vector<16xi32>
      %and3A_550 = arith.andi %ge3A_545, %lt3A_549 : vector<16xi1>
      %sub3A_551 = vector.broadcast %mul3A_355 : i32 to vector<16xi32>
      %sub3A_552 = arith.subi %get3A_543, %sub3A_551 : vector<16xi32>
      %add3A_553 = arith.constant 32 : i32
      %add3A_554 = vector.broadcast %add3A_553 : i32 to vector<16xi32>
      %add3A_555 = arith.addi %iota3A, %add3A_554 : vector<16xi32>
      tpu.vector_store_idx %arg5[%sub3A_552, %add3A_555], %broadcast_in_dim3A_8 masked %and3A_550 : memref<200x128xi32, #tpu.memory_space<vmem>>[vector<16xi32>, vector<16xi32>], vector<16xi32>, vector<16xi1>
      %get3A_556 = arith.index_cast %select_n3A : i32 to index
      %get3A_557 = arith.constant 48 : index
      %get3A_558 = tpu.vector_load %arg4[%get3A_556, %get3A_557] {strides = array<i32>} : memref<20x128xi32, #tpu.memory_space<vmem>>, vector<16xi32>,
      %ge3A_559 = vector.broadcast %mul3A_355 : i32 to vector<16xi32>
      %ge3A_560 = arith.cmpi sge, %get3A_558, %ge3A_559 : vector<16xi32>
      %add3A_561 = arith.constant 200 : i32
      %add3A_562 = arith.addi %mul3A_355, %add3A_561 : i32
      %lt3A_563 = vector.broadcast %add3A_562 : i32 to vector<16xi32>
      %lt3A_564 = arith.cmpi slt, %get3A_558, %lt3A_563 : vector<16xi32>
      %and3A_565 = arith.andi %ge3A_560, %lt3A_564 : vector<16xi1>
      %sub3A_566 = vector.broadcast %mul3A_355 : i32 to vector<16xi32>
      %sub3A_567 = arith.subi %get3A_558, %sub3A_566 : vector<16xi32>
      %add3A_568 = arith.constant 48 : i32
      %add3A_569 = vector.broadcast %add3A_568 : i32 to vector<16xi32>
      %add3A_570 = arith.addi %iota3A, %add3A_569 : vector<16xi32>
      tpu.vector_store_idx %arg5[%sub3A_567, %add3A_570], %broadcast_in_dim3A_8 masked %and3A_565 : memref<200x128xi32, #tpu.memory_space<vmem>>[vector<16xi32>, vector<16xi32>], vector<16xi32>, vector<16xi1>
      %get3A_571 = arith.index_cast %select_n3A : i32 to index
      %get3A_572 = arith.constant 64 : index
      %get3A_573 = tpu.vector_load %arg4[%get3A_571, %get3A_572] {strides = array<i32>} : memref<20x128xi32, #tpu.memory_space<vmem>>, vector<16xi32>,
      %ge3A_574 = vector.broadcast %mul3A_355 : i32 to vector<16xi32>
      %ge3A_575 = arith.cmpi sge, %get3A_573, %ge3A_574 : vector<16xi32>
      %add3A_576 = arith.constant 200 : i32
      %add3A_577 = arith.addi %mul3A_355, %add3A_576 : i32
      %lt3A_578 = vector.broadcast %add3A_577 : i32 to vector<16xi32>
      %lt3A_579 = arith.cmpi slt, %get3A_573, %lt3A_578 : vector<16xi32>
      %and3A_580 = arith.andi %ge3A_575, %lt3A_579 : vector<16xi1>
      %sub3A_581 = vector.broadcast %mul3A_355 : i32 to vector<16xi32>
      %sub3A_582 = arith.subi %get3A_573, %sub3A_581 : vector<16xi32>
      %add3A_583 = arith.constant 64 : i32
      %add3A_584 = vector.broadcast %add3A_583 : i32 to vector<16xi32>
      %add3A_585 = arith.addi %iota3A, %add3A_584 : vector<16xi32>
      tpu.vector_store_idx %arg5[%sub3A_582, %add3A_585], %broadcast_in_dim3A_8 masked %and3A_580 : memref<200x128xi32, #tpu.memory_space<vmem>>[vector<16xi32>, vector<16xi32>], vector<16xi32>, vector<16xi1>
      %get3A_586 = arith.index_cast %select_n3A : i32 to index
      %get3A_587 = arith.constant 80 : index
      %get3A_588 = tpu.vector_load %arg4[%get3A_586, %get3A_587] {strides = array<i32>} : memref<20x128xi32, #tpu.memory_space<vmem>>, vector<16xi32>,
      %ge3A_589 = vector.broadcast %mul3A_355 : i32 to vector<16xi32>
      %ge3A_590 = arith.cmpi sge, %get3A_588, %ge3A_589 : vector<16xi32>
      %add3A_591 = arith.constant 200 : i32
      %add3A_592 = arith.addi %mul3A_355, %add3A_591 : i32
      %lt3A_593 = vector.broadcast %add3A_592 : i32 to vector<16xi32>
      %lt3A_594 = arith.cmpi slt, %get3A_588, %lt3A_593 : vector<16xi32>
      %and3A_595 = arith.andi %ge3A_590, %lt3A_594 : vector<16xi1>
      %sub3A_596 = vector.broadcast %mul3A_355 : i32 to vector<16xi32>
      %sub3A_597 = arith.subi %get3A_588, %sub3A_596 : vector<16xi32>
      %add3A_598 = arith.constant 80 : i32
      %add3A_599 = vector.broadcast %add3A_598 : i32 to vector<16xi32>
      %add3A_600 = arith.addi %iota3A, %add3A_599 : vector<16xi32>
      tpu.vector_store_idx %arg5[%sub3A_597, %add3A_600], %broadcast_in_dim3A_8 masked %and3A_595 : memref<200x128xi32, #tpu.memory_space<vmem>>[vector<16xi32>, vector<16xi32>], vector<16xi32>, vector<16xi1>
      %get3A_601 = arith.index_cast %select_n3A : i32 to index
      %get3A_602 = arith.constant 96 : index
      %get3A_603 = tpu.vector_load %arg4[%get3A_601, %get3A_602] {strides = array<i32>} : memref<20x128xi32, #tpu.memory_space<vmem>>, vector<16xi32>,
      %ge3A_604 = vector.broadcast %mul3A_355 : i32 to vector<16xi32>
      %ge3A_605 = arith.cmpi sge, %get3A_603, %ge3A_604 : vector<16xi32>
      %add3A_606 = arith.constant 200 : i32
      %add3A_607 = arith.addi %mul3A_355, %add3A_606 : i32
      %lt3A_608 = vector.broadcast %add3A_607 : i32 to vector<16xi32>
      %lt3A_609 = arith.cmpi slt, %get3A_603, %lt3A_608 : vector<16xi32>
      %and3A_610 = arith.andi %ge3A_605, %lt3A_609 : vector<16xi1>
      %sub3A_611 = vector.broadcast %mul3A_355 : i32 to vector<16xi32>
      %sub3A_612 = arith.subi %get3A_603, %sub3A_611 : vector<16xi32>
      %add3A_613 = arith.constant 96 : i32
      %add3A_614 = vector.broadcast %add3A_613 : i32 to vector<16xi32>
      %add3A_615 = arith.addi %iota3A, %add3A_614 : vector<16xi32>
      tpu.vector_store_idx %arg5[%sub3A_612, %add3A_615], %broadcast_in_dim3A_8 masked %and3A_610 : memref<200x128xi32, #tpu.memory_space<vmem>>[vector<16xi32>, vector<16xi32>], vector<16xi32>, vector<16xi1>
      %get3A_616 = arith.index_cast %select_n3A : i32 to index
      %get3A_617 = arith.constant 112 : index
      %get3A_618 = tpu.vector_load %arg4[%get3A_616, %get3A_617] {strides = array<i32>} : memref<20x128xi32, #tpu.memory_space<vmem>>, vector<16xi32>,
      %ge3A_619 = vector.broadcast %mul3A_355 : i32 to vector<16xi32>
      %ge3A_620 = arith.cmpi sge, %get3A_618, %ge3A_619 : vector<16xi32>
      %add3A_621 = arith.constant 200 : i32
      %add3A_622 = arith.addi %mul3A_355, %add3A_621 : i32
      %lt3A_623 = vector.broadcast %add3A_622 : i32 to vector<16xi32>
      %lt3A_624 = arith.cmpi slt, %get3A_618, %lt3A_623 : vector<16xi32>
      %and3A_625 = arith.andi %ge3A_620, %lt3A_624 : vector<16xi1>
      %sub3A_626 = vector.broadcast %mul3A_355 : i32 to vector<16xi32>
      %sub3A_627 = arith.subi %get3A_618, %sub3A_626 : vector<16xi32>
      %add3A_628 = arith.constant 112 : i32
      %add3A_629 = vector.broadcast %add3A_628 : i32 to vector<16xi32>
      %add3A_630 = arith.addi %iota3A, %add3A_629 : vector<16xi32>
      tpu.vector_store_idx %arg5[%sub3A_627, %add3A_630], %broadcast_in_dim3A_8 masked %and3A_625 : memref<200x128xi32, #tpu.memory_space<vmem>>[vector<16xi32>, vector<16xi32>], vector<16xi32>, vector<16xi1>
      %dma_start3A_631 = tpu.memref_slice %arg3[%select_n3A, %mul3A_355, %mul3A_2] : memref<20x1000x4096xi32, #tpu.memory_space<hbm>> -> memref<1x200x128xi32, #tpu.memory_space<hbm>>
      %dma_start3A_632 = tpu.memref_squeeze %dma_start3A_631 : memref<1x200x128xi32, #tpu.memory_space<hbm>> -> memref<200x128xi32, #tpu.memory_space<hbm>>
      %dma_start3A_633 = tpu.memref_slice %arg3[%select_n3A, %mul3A_355, %mul3A_2] : memref<20x1000x4096xi32, #tpu.memory_space<hbm>> -> memref<1x200x128xi32, #tpu.memory_space<hbm>>
      %dma_start3A_634 = tpu.memref_squeeze %dma_start3A_633 : memref<1x200x128xi32, #tpu.memory_space<hbm>> -> memref<200x128xi32, #tpu.memory_space<hbm>>
      tpu.enqueue_dma source(%arg5 : memref<200x128xi32, #tpu.memory_space<vmem>>) target(%dma_start3A_634 : memref<200x128xi32, #tpu.memory_space<hbm>>) target_semaphore(%arg7 : memref<!tpu.dma_semaphore, #tpu.memory_space<semaphore_mem>>)
      %mul3A_635 = arith.constant 2 : i32
      %mul3A_636 = arith.muli %scan3A_327, %mul3A_635 : i32
      %add3A_637 = arith.constant 1 : i32
      %add3A_638 = arith.addi %mul3A_636, %add3A_637 : i32
      %jit3A_639 = arith.constant 5 : i32
      %div3A_640 = arith.divsi %add3A_638, %jit3A_639 : i32
      %sign3A_641 = arith.constant 0 : i32
      %sign3A_642 = arith.cmpi sgt, %add3A_638, %sign3A_641 : i32
      %sign3A_643 = arith.extui %sign3A_642 : i1 to i32
      %sign3A_644 = arith.constant 0 : i32
      %sign3A_645 = arith.cmpi slt, %add3A_638, %sign3A_644 : i32
      %sign3A_646 = arith.extui %sign3A_645 : i1 to i32
      %sign3A_647 = arith.subi %sign3A_643, %sign3A_646 : i32
      %sign3A_648 = arith.constant 0 : i32
      %sign3A_649 = arith.cmpi sgt, %jit3A_639, %sign3A_648 : i32
      %sign3A_650 = arith.extui %sign3A_649 : i1 to i32
      %sign3A_651 = arith.constant 0 : i32
      %sign3A_652 = arith.cmpi slt, %jit3A_639, %sign3A_651 : i32
      %sign3A_653 = arith.extui %sign3A_652 : i1 to i32
      %sign3A_654 = arith.subi %sign3A_650, %sign3A_653 : i32
      %ne3A_655 = arith.cmpi ne, %sign3A_647, %sign3A_654 : i32
      %rem3A_656 = arith.remsi %add3A_638, %jit3A_639 : i32
      %ne3A_657 = arith.constant 0 : i32
      %ne3A_658 = arith.cmpi ne, %rem3A_656, %ne3A_657 : i32
      %and3A_659 = arith.andi %ne3A_655, %ne3A_658 : i1
      %sub3A_660 = arith.constant 1 : i32
      %sub3A_661 = arith.subi %div3A_640, %sub3A_660 : i32
      %select_n3A_662 = arith.select %and3A_659, %sub3A_661, %div3A_640 : i32
      %mul3A_663 = arith.constant 5 : i32
      %mul3A_664 = arith.muli %select_n3A_662, %mul3A_663 : i32
      %sub3A_665 = arith.subi %add3A_638, %mul3A_664 : i32
      %mul3A_666 = arith.constant 200 : i32
      %mul3A_667 = arith.muli %sub3A_665, %mul3A_666 : i32
      %dma_wait3A_668 = tpu.memref_slice %arg3[%select_n3A_662, %mul3A_667, %mul3A_2] : memref<20x1000x4096xi32, #tpu.memory_space<hbm>> -> memref<1x200x128xi32, #tpu.memory_space<hbm>>
      %dma_wait3A_669 = tpu.memref_squeeze %dma_wait3A_668 : memref<1x200x128xi32, #tpu.memory_space<hbm>> -> memref<200x128xi32, #tpu.memory_space<hbm>>
      %dma_wait3A_670 = tpu.memref_slice %arg3[%select_n3A_662, %mul3A_667, %mul3A_2] : memref<20x1000x4096xi32, #tpu.memory_space<hbm>> -> memref<1x200x128xi32, #tpu.memory_space<hbm>>
      %dma_wait3A_671 = tpu.memref_squeeze %dma_wait3A_670 : memref<1x200x128xi32, #tpu.memory_space<hbm>> -> memref<200x128xi32, #tpu.memory_space<hbm>>
      tpu.wait_dma2 semaphore(%arg8 : memref<!tpu.dma_semaphore, #tpu.memory_space<semaphore_mem>>) src(%arg6 : memref<200x128xi32, #tpu.memory_space<vmem>>) dst(%dma_wait3A_671 : memref<200x128xi32, #tpu.memory_space<hbm>>)
      %sub3A_672 = arith.constant 2 : i32
      %sub3A_673 = arith.subi %add3A_638, %sub3A_672 : i32
      %jit3A_674 = arith.constant 5 : i32
      %div3A_675 = arith.divsi %sub3A_673, %jit3A_674 : i32
      %sign3A_676 = arith.constant 0 : i32
      %sign3A_677 = arith.cmpi sgt, %sub3A_673, %sign3A_676 : i32
      %sign3A_678 = arith.extui %sign3A_677 : i1 to i32
      %sign3A_679 = arith.constant 0 : i32
      %sign3A_680 = arith.cmpi slt, %sub3A_673, %sign3A_679 : i32
      %sign3A_681 = arith.extui %sign3A_680 : i1 to i32
      %sign3A_682 = arith.subi %sign3A_678, %sign3A_681 : i32
      %sign3A_683 = arith.constant 0 : i32
      %sign3A_684 = arith.cmpi sgt, %jit3A_674, %sign3A_683 : i32
      %sign3A_685 = arith.extui %sign3A_684 : i1 to i32
      %sign3A_686 = arith.constant 0 : i32
      %sign3A_687 = arith.cmpi slt, %jit3A_674, %sign3A_686 : i32
      %sign3A_688 = arith.extui %sign3A_687 : i1 to i32
      %sign3A_689 = arith.subi %sign3A_685, %sign3A_688 : i32
      %ne3A_690 = arith.cmpi ne, %sign3A_682, %sign3A_689 : i32
      %rem3A_691 = arith.remsi %sub3A_673, %jit3A_674 : i32
      %ne3A_692 = arith.constant 0 : i32
      %ne3A_693 = arith.cmpi ne, %rem3A_691, %ne3A_692 : i32
      %and3A_694 = arith.andi %ne3A_690, %ne3A_693 : i1
      %sub3A_695 = arith.constant 1 : i32
      %sub3A_696 = arith.subi %div3A_675, %sub3A_695 : i32
      %select_n3A_697 = arith.select %and3A_694, %sub3A_696, %div3A_675 : i32
      %mul3A_698 = arith.constant 5 : i32
      %mul3A_699 = arith.muli %select_n3A_697, %mul3A_698 : i32
      %sub3A_700 = arith.subi %sub3A_673, %mul3A_699 : i32
      %mul3A_701 = arith.constant 200 : i32
      %mul3A_702 = arith.muli %sub3A_700, %mul3A_701 : i32
      %get3A_703 = arith.index_cast %select_n3A_697 : i32 to index
      %get3A_704 = arith.constant 0 : index
      %get3A_705 = tpu.vector_load %arg4[%get3A_703, %get3A_704] {strides = array<i32>} : memref<20x128xi32, #tpu.memory_space<vmem>>, vector<16xi32>,
      %ge3A_706 = vector.broadcast %mul3A_702 : i32 to vector<16xi32>
      %ge3A_707 = arith.cmpi sge, %get3A_705, %ge3A_706 : vector<16xi32>
      %add3A_708 = arith.constant 200 : i32
      %add3A_709 = arith.addi %mul3A_702, %add3A_708 : i32
      %lt3A_710 = vector.broadcast %add3A_709 : i32 to vector<16xi32>
      %lt3A_711 = arith.cmpi slt, %get3A_705, %lt3A_710 : vector<16xi32>
      %and3A_712 = arith.andi %ge3A_707, %lt3A_711 : vector<16xi1>
      %sub3A_713 = vector.broadcast %mul3A_702 : i32 to vector<16xi32>
      %sub3A_714 = arith.subi %get3A_705, %sub3A_713 : vector<16xi32>
      %add3A_715 = arith.constant 0 : i32
      %add3A_716 = vector.broadcast %add3A_715 : i32 to vector<16xi32>
      %add3A_717 = arith.addi %iota3A, %add3A_716 : vector<16xi32>
      tpu.vector_store_idx %arg6[%sub3A_714, %add3A_717], %broadcast_in_dim3A_6 masked %and3A_712 : memref<200x128xi32, #tpu.memory_space<vmem>>[vector<16xi32>, vector<16xi32>], vector<16xi32>, vector<16xi1>
      %get3A_718 = arith.index_cast %select_n3A_697 : i32 to index
      %get3A_719 = arith.constant 16 : index
      %get3A_720 = tpu.vector_load %arg4[%get3A_718, %get3A_719] {strides = array<i32>} : memref<20x128xi32, #tpu.memory_space<vmem>>, vector<16xi32>,
      %ge3A_721 = vector.broadcast %mul3A_702 : i32 to vector<16xi32>
      %ge3A_722 = arith.cmpi sge, %get3A_720, %ge3A_721 : vector<16xi32>
      %add3A_723 = arith.constant 200 : i32
      %add3A_724 = arith.addi %mul3A_702, %add3A_723 : i32
      %lt3A_725 = vector.broadcast %add3A_724 : i32 to vector<16xi32>
      %lt3A_726 = arith.cmpi slt, %get3A_720, %lt3A_725 : vector<16xi32>
      %and3A_727 = arith.andi %ge3A_722, %lt3A_726 : vector<16xi1>
      %sub3A_728 = vector.broadcast %mul3A_702 : i32 to vector<16xi32>
      %sub3A_729 = arith.subi %get3A_720, %sub3A_728 : vector<16xi32>
      %add3A_730 = arith.constant 16 : i32
      %add3A_731 = vector.broadcast %add3A_730 : i32 to vector<16xi32>
      %add3A_732 = arith.addi %iota3A, %add3A_731 : vector<16xi32>
      tpu.vector_store_idx %arg6[%sub3A_729, %add3A_732], %broadcast_in_dim3A_6 masked %and3A_727 : memref<200x128xi32, #tpu.memory_space<vmem>>[vector<16xi32>, vector<16xi32>], vector<16xi32>, vector<16xi1>
      %get3A_733 = arith.index_cast %select_n3A_697 : i32 to index
      %get3A_734 = arith.constant 32 : index
      %get3A_735 = tpu.vector_load %arg4[%get3A_733, %get3A_734] {strides = array<i32>} : memref<20x128xi32, #tpu.memory_space<vmem>>, vector<16xi32>,
      %ge3A_736 = vector.broadcast %mul3A_702 : i32 to vector<16xi32>
      %ge3A_737 = arith.cmpi sge, %get3A_735, %ge3A_736 : vector<16xi32>
      %add3A_738 = arith.constant 200 : i32
      %add3A_739 = arith.addi %mul3A_702, %add3A_738 : i32
      %lt3A_740 = vector.broadcast %add3A_739 : i32 to vector<16xi32>
      %lt3A_741 = arith.cmpi slt, %get3A_735, %lt3A_740 : vector<16xi32>
      %and3A_742 = arith.andi %ge3A_737, %lt3A_741 : vector<16xi1>
      %sub3A_743 = vector.broadcast %mul3A_702 : i32 to vector<16xi32>
      %sub3A_744 = arith.subi %get3A_735, %sub3A_743 : vector<16xi32>
      %add3A_745 = arith.constant 32 : i32
      %add3A_746 = vector.broadcast %add3A_745 : i32 to vector<16xi32>
      %add3A_747 = arith.addi %iota3A, %add3A_746 : vector<16xi32>
      tpu.vector_store_idx %arg6[%sub3A_744, %add3A_747], %broadcast_in_dim3A_6 masked %and3A_742 : memref<200x128xi32, #tpu.memory_space<vmem>>[vector<16xi32>, vector<16xi32>], vector<16xi32>, vector<16xi1>
      %get3A_748 = arith.index_cast %select_n3A_697 : i32 to index
      %get3A_749 = arith.constant 48 : index
      %get3A_750 = tpu.vector_load %arg4[%get3A_748, %get3A_749] {strides = array<i32>} : memref<20x128xi32, #tpu.memory_space<vmem>>, vector<16xi32>,
      %ge3A_751 = vector.broadcast %mul3A_702 : i32 to vector<16xi32>
      %ge3A_752 = arith.cmpi sge, %get3A_750, %ge3A_751 : vector<16xi32>
      %add3A_753 = arith.constant 200 : i32
      %add3A_754 = arith.addi %mul3A_702, %add3A_753 : i32
      %lt3A_755 = vector.broadcast %add3A_754 : i32 to vector<16xi32>
      %lt3A_756 = arith.cmpi slt, %get3A_750, %lt3A_755 : vector<16xi32>
      %and3A_757 = arith.andi %ge3A_752, %lt3A_756 : vector<16xi1>
      %sub3A_758 = vector.broadcast %mul3A_702 : i32 to vector<16xi32>
      %sub3A_759 = arith.subi %get3A_750, %sub3A_758 : vector<16xi32>
      %add3A_760 = arith.constant 48 : i32
      %add3A_761 = vector.broadcast %add3A_760 : i32 to vector<16xi32>
      %add3A_762 = arith.addi %iota3A, %add3A_761 : vector<16xi32>
      tpu.vector_store_idx %arg6[%sub3A_759, %add3A_762], %broadcast_in_dim3A_6 masked %and3A_757 : memref<200x128xi32, #tpu.memory_space<vmem>>[vector<16xi32>, vector<16xi32>], vector<16xi32>, vector<16xi1>
      %get3A_763 = arith.index_cast %select_n3A_697 : i32 to index
      %get3A_764 = arith.constant 64 : index
      %get3A_765 = tpu.vector_load %arg4[%get3A_763, %get3A_764] {strides = array<i32>} : memref<20x128xi32, #tpu.memory_space<vmem>>, vector<16xi32>,
      %ge3A_766 = vector.broadcast %mul3A_702 : i32 to vector<16xi32>
      %ge3A_767 = arith.cmpi sge, %get3A_765, %ge3A_766 : vector<16xi32>
      %add3A_768 = arith.constant 200 : i32
      %add3A_769 = arith.addi %mul3A_702, %add3A_768 : i32
      %lt3A_770 = vector.broadcast %add3A_769 : i32 to vector<16xi32>
      %lt3A_771 = arith.cmpi slt, %get3A_765, %lt3A_770 : vector<16xi32>
      %and3A_772 = arith.andi %ge3A_767, %lt3A_771 : vector<16xi1>
      %sub3A_773 = vector.broadcast %mul3A_702 : i32 to vector<16xi32>
      %sub3A_774 = arith.subi %get3A_765, %sub3A_773 : vector<16xi32>
      %add3A_775 = arith.constant 64 : i32
      %add3A_776 = vector.broadcast %add3A_775 : i32 to vector<16xi32>
      %add3A_777 = arith.addi %iota3A, %add3A_776 : vector<16xi32>
      tpu.vector_store_idx %arg6[%sub3A_774, %add3A_777], %broadcast_in_dim3A_6 masked %and3A_772 : memref<200x128xi32, #tpu.memory_space<vmem>>[vector<16xi32>, vector<16xi32>], vector<16xi32>, vector<16xi1>
      %get3A_778 = arith.index_cast %select_n3A_697 : i32 to index
      %get3A_779 = arith.constant 80 : index
      %get3A_780 = tpu.vector_load %arg4[%get3A_778, %get3A_779] {strides = array<i32>} : memref<20x128xi32, #tpu.memory_space<vmem>>, vector<16xi32>,
      %ge3A_781 = vector.broadcast %mul3A_702 : i32 to vector<16xi32>
      %ge3A_782 = arith.cmpi sge, %get3A_780, %ge3A_781 : vector<16xi32>
      %add3A_783 = arith.constant 200 : i32
      %add3A_784 = arith.addi %mul3A_702, %add3A_783 : i32
      %lt3A_785 = vector.broadcast %add3A_784 : i32 to vector<16xi32>
      %lt3A_786 = arith.cmpi slt, %get3A_780, %lt3A_785 : vector<16xi32>
      %and3A_787 = arith.andi %ge3A_782, %lt3A_786 : vector<16xi1>
      %sub3A_788 = vector.broadcast %mul3A_702 : i32 to vector<16xi32>
      %sub3A_789 = arith.subi %get3A_780, %sub3A_788 : vector<16xi32>
      %add3A_790 = arith.constant 80 : i32
      %add3A_791 = vector.broadcast %add3A_790 : i32 to vector<16xi32>
      %add3A_792 = arith.addi %iota3A, %add3A_791 : vector<16xi32>
      tpu.vector_store_idx %arg6[%sub3A_789, %add3A_792], %broadcast_in_dim3A_6 masked %and3A_787 : memref<200x128xi32, #tpu.memory_space<vmem>>[vector<16xi32>, vector<16xi32>], vector<16xi32>, vector<16xi1>
      %get3A_793 = arith.index_cast %select_n3A_697 : i32 to index
      %get3A_794 = arith.constant 96 : index
      %get3A_795 = tpu.vector_load %arg4[%get3A_793, %get3A_794] {strides = array<i32>} : memref<20x128xi32, #tpu.memory_space<vmem>>, vector<16xi32>,
      %ge3A_796 = vector.broadcast %mul3A_702 : i32 to vector<16xi32>
      %ge3A_797 = arith.cmpi sge, %get3A_795, %ge3A_796 : vector<16xi32>
      %add3A_798 = arith.constant 200 : i32
      %add3A_799 = arith.addi %mul3A_702, %add3A_798 : i32
      %lt3A_800 = vector.broadcast %add3A_799 : i32 to vector<16xi32>
      %lt3A_801 = arith.cmpi slt, %get3A_795, %lt3A_800 : vector<16xi32>
      %and3A_802 = arith.andi %ge3A_797, %lt3A_801 : vector<16xi1>
      %sub3A_803 = vector.broadcast %mul3A_702 : i32 to vector<16xi32>
      %sub3A_804 = arith.subi %get3A_795, %sub3A_803 : vector<16xi32>
      %add3A_805 = arith.constant 96 : i32
      %add3A_806 = vector.broadcast %add3A_805 : i32 to vector<16xi32>
      %add3A_807 = arith.addi %iota3A, %add3A_806 : vector<16xi32>
      tpu.vector_store_idx %arg6[%sub3A_804, %add3A_807], %broadcast_in_dim3A_6 masked %and3A_802 : memref<200x128xi32, #tpu.memory_space<vmem>>[vector<16xi32>, vector<16xi32>], vector<16xi32>, vector<16xi1>
      %get3A_808 = arith.index_cast %select_n3A_697 : i32 to index
      %get3A_809 = arith.constant 112 : index
      %get3A_810 = tpu.vector_load %arg4[%get3A_808, %get3A_809] {strides = array<i32>} : memref<20x128xi32, #tpu.memory_space<vmem>>, vector<16xi32>,
      %ge3A_811 = vector.broadcast %mul3A_702 : i32 to vector<16xi32>
      %ge3A_812 = arith.cmpi sge, %get3A_810, %ge3A_811 : vector<16xi32>
      %add3A_813 = arith.constant 200 : i32
      %add3A_814 = arith.addi %mul3A_702, %add3A_813 : i32
      %lt3A_815 = vector.broadcast %add3A_814 : i32 to vector<16xi32>
      %lt3A_816 = arith.cmpi slt, %get3A_810, %lt3A_815 : vector<16xi32>
      %and3A_817 = arith.andi %ge3A_812, %lt3A_816 : vector<16xi1>
      %sub3A_818 = vector.broadcast %mul3A_702 : i32 to vector<16xi32>
      %sub3A_819 = arith.subi %get3A_810, %sub3A_818 : vector<16xi32>
      %add3A_820 = arith.constant 112 : i32
      %add3A_821 = vector.broadcast %add3A_820 : i32 to vector<16xi32>
      %add3A_822 = arith.addi %iota3A, %add3A_821 : vector<16xi32>
      tpu.vector_store_idx %arg6[%sub3A_819, %add3A_822], %broadcast_in_dim3A_6 masked %and3A_817 : memref<200x128xi32, #tpu.memory_space<vmem>>[vector<16xi32>, vector<16xi32>], vector<16xi32>, vector<16xi1>
      %get3A_823 = arith.index_cast %select_n3A_662 : i32 to index
      %get3A_824 = arith.constant 0 : index
      %get3A_825 = tpu.vector_load %arg4[%get3A_823, %get3A_824] {strides = array<i32>} : memref<20x128xi32, #tpu.memory_space<vmem>>, vector<16xi32>,
      %ge3A_826 = vector.broadcast %mul3A_667 : i32 to vector<16xi32>
      %ge3A_827 = arith.cmpi sge, %get3A_825, %ge3A_826 : vector<16xi32>
      %add3A_828 = arith.constant 200 : i32
      %add3A_829 = arith.addi %mul3A_667, %add3A_828 : i32
      %lt3A_830 = vector.broadcast %add3A_829 : i32 to vector<16xi32>
      %lt3A_831 = arith.cmpi slt, %get3A_825, %lt3A_830 : vector<16xi32>
      %and3A_832 = arith.andi %ge3A_827, %lt3A_831 : vector<16xi1>
      %sub3A_833 = vector.broadcast %mul3A_667 : i32 to vector<16xi32>
      %sub3A_834 = arith.subi %get3A_825, %sub3A_833 : vector<16xi32>
      %add3A_835 = arith.constant 0 : i32
      %add3A_836 = vector.broadcast %add3A_835 : i32 to vector<16xi32>
      %add3A_837 = arith.addi %iota3A, %add3A_836 : vector<16xi32>
      tpu.vector_store_idx %arg6[%sub3A_834, %add3A_837], %broadcast_in_dim3A_8 masked %and3A_832 : memref<200x128xi32, #tpu.memory_space<vmem>>[vector<16xi32>, vector<16xi32>], vector<16xi32>, vector<16xi1>
      %get3A_838 = arith.index_cast %select_n3A_662 : i32 to index
      %get3A_839 = arith.constant 16 : index
      %get3A_840 = tpu.vector_load %arg4[%get3A_838, %get3A_839] {strides = array<i32>} : memref<20x128xi32, #tpu.memory_space<vmem>>, vector<16xi32>,
      %ge3A_841 = vector.broadcast %mul3A_667 : i32 to vector<16xi32>
      %ge3A_842 = arith.cmpi sge, %get3A_840, %ge3A_841 : vector<16xi32>
      %add3A_843 = arith.constant 200 : i32
      %add3A_844 = arith.addi %mul3A_667, %add3A_843 : i32
      %lt3A_845 = vector.broadcast %add3A_844 : i32 to vector<16xi32>
      %lt3A_846 = arith.cmpi slt, %get3A_840, %lt3A_845 : vector<16xi32>
      %and3A_847 = arith.andi %ge3A_842, %lt3A_846 : vector<16xi1>
      %sub3A_848 = vector.broadcast %mul3A_667 : i32 to vector<16xi32>
      %sub3A_849 = arith.subi %get3A_840, %sub3A_848 : vector<16xi32>
      %add3A_850 = arith.constant 16 : i32
      %add3A_851 = vector.broadcast %add3A_850 : i32 to vector<16xi32>
      %add3A_852 = arith.addi %iota3A, %add3A_851 : vector<16xi32>
      tpu.vector_store_idx %arg6[%sub3A_849, %add3A_852], %broadcast_in_dim3A_8 masked %and3A_847 : memref<200x128xi32, #tpu.memory_space<vmem>>[vector<16xi32>, vector<16xi32>], vector<16xi32>, vector<16xi1>
      %get3A_853 = arith.index_cast %select_n3A_662 : i32 to index
      %get3A_854 = arith.constant 32 : index
      %get3A_855 = tpu.vector_load %arg4[%get3A_853, %get3A_854] {strides = array<i32>} : memref<20x128xi32, #tpu.memory_space<vmem>>, vector<16xi32>,
      %ge3A_856 = vector.broadcast %mul3A_667 : i32 to vector<16xi32>
      %ge3A_857 = arith.cmpi sge, %get3A_855, %ge3A_856 : vector<16xi32>
      %add3A_858 = arith.constant 200 : i32
      %add3A_859 = arith.addi %mul3A_667, %add3A_858 : i32
      %lt3A_860 = vector.broadcast %add3A_859 : i32 to vector<16xi32>
      %lt3A_861 = arith.cmpi slt, %get3A_855, %lt3A_860 : vector<16xi32>
      %and3A_862 = arith.andi %ge3A_857, %lt3A_861 : vector<16xi1>
      %sub3A_863 = vector.broadcast %mul3A_667 : i32 to vector<16xi32>
      %sub3A_864 = arith.subi %get3A_855, %sub3A_863 : vector<16xi32>
      %add3A_865 = arith.constant 32 : i32
      %add3A_866 = vector.broadcast %add3A_865 : i32 to vector<16xi32>
      %add3A_867 = arith.addi %iota3A, %add3A_866 : vector<16xi32>
      tpu.vector_store_idx %arg6[%sub3A_864, %add3A_867], %broadcast_in_dim3A_8 masked %and3A_862 : memref<200x128xi32, #tpu.memory_space<vmem>>[vector<16xi32>, vector<16xi32>], vector<16xi32>, vector<16xi1>
      %get3A_868 = arith.index_cast %select_n3A_662 : i32 to index
      %get3A_869 = arith.constant 48 : index
      %get3A_870 = tpu.vector_load %arg4[%get3A_868, %get3A_869] {strides = array<i32>} : memref<20x128xi32, #tpu.memory_space<vmem>>, vector<16xi32>,
      %ge3A_871 = vector.broadcast %mul3A_667 : i32 to vector<16xi32>
      %ge3A_872 = arith.cmpi sge, %get3A_870, %ge3A_871 : vector<16xi32>
      %add3A_873 = arith.constant 200 : i32
      %add3A_874 = arith.addi %mul3A_667, %add3A_873 : i32
      %lt3A_875 = vector.broadcast %add3A_874 : i32 to vector<16xi32>
      %lt3A_876 = arith.cmpi slt, %get3A_870, %lt3A_875 : vector<16xi32>
      %and3A_877 = arith.andi %ge3A_872, %lt3A_876 : vector<16xi1>
      %sub3A_878 = vector.broadcast %mul3A_667 : i32 to vector<16xi32>
      %sub3A_879 = arith.subi %get3A_870, %sub3A_878 : vector<16xi32>
      %add3A_880 = arith.constant 48 : i32
      %add3A_881 = vector.broadcast %add3A_880 : i32 to vector<16xi32>
      %add3A_882 = arith.addi %iota3A, %add3A_881 : vector<16xi32>
      tpu.vector_store_idx %arg6[%sub3A_879, %add3A_882], %broadcast_in_dim3A_8 masked %and3A_877 : memref<200x128xi32, #tpu.memory_space<vmem>>[vector<16xi32>, vector<16xi32>], vector<16xi32>, vector<16xi1>
      %get3A_883 = arith.index_cast %select_n3A_662 : i32 to index
      %get3A_884 = arith.constant 64 : index
      %get3A_885 = tpu.vector_load %arg4[%get3A_883, %get3A_884] {strides = array<i32>} : memref<20x128xi32, #tpu.memory_space<vmem>>, vector<16xi32>,
      %ge3A_886 = vector.broadcast %mul3A_667 : i32 to vector<16xi32>
      %ge3A_887 = arith.cmpi sge, %get3A_885, %ge3A_886 : vector<16xi32>
      %add3A_888 = arith.constant 200 : i32
      %add3A_889 = arith.addi %mul3A_667, %add3A_888 : i32
      %lt3A_890 = vector.broadcast %add3A_889 : i32 to vector<16xi32>
      %lt3A_891 = arith.cmpi slt, %get3A_885, %lt3A_890 : vector<16xi32>
      %and3A_892 = arith.andi %ge3A_887, %lt3A_891 : vector<16xi1>
      %sub3A_893 = vector.broadcast %mul3A_667 : i32 to vector<16xi32>
      %sub3A_894 = arith.subi %get3A_885, %sub3A_893 : vector<16xi32>
      %add3A_895 = arith.constant 64 : i32
      %add3A_896 = vector.broadcast %add3A_895 : i32 to vector<16xi32>
      %add3A_897 = arith.addi %iota3A, %add3A_896 : vector<16xi32>
      tpu.vector_store_idx %arg6[%sub3A_894, %add3A_897], %broadcast_in_dim3A_8 masked %and3A_892 : memref<200x128xi32, #tpu.memory_space<vmem>>[vector<16xi32>, vector<16xi32>], vector<16xi32>, vector<16xi1>
      %get3A_898 = arith.index_cast %select_n3A_662 : i32 to index
      %get3A_899 = arith.constant 80 : index
      %get3A_900 = tpu.vector_load %arg4[%get3A_898, %get3A_899] {strides = array<i32>} : memref<20x128xi32, #tpu.memory_space<vmem>>, vector<16xi32>,
      %ge3A_901 = vector.broadcast %mul3A_667 : i32 to vector<16xi32>
      %ge3A_902 = arith.cmpi sge, %get3A_900, %ge3A_901 : vector<16xi32>
      %add3A_903 = arith.constant 200 : i32
      %add3A_904 = arith.addi %mul3A_667, %add3A_903 : i32
      %lt3A_905 = vector.broadcast %add3A_904 : i32 to vector<16xi32>
      %lt3A_906 = arith.cmpi slt, %get3A_900, %lt3A_905 : vector<16xi32>
      %and3A_907 = arith.andi %ge3A_902, %lt3A_906 : vector<16xi1>
      %sub3A_908 = vector.broadcast %mul3A_667 : i32 to vector<16xi32>
      %sub3A_909 = arith.subi %get3A_900, %sub3A_908 : vector<16xi32>
      %add3A_910 = arith.constant 80 : i32
      %add3A_911 = vector.broadcast %add3A_910 : i32 to vector<16xi32>
      %add3A_912 = arith.addi %iota3A, %add3A_911 : vector<16xi32>
      tpu.vector_store_idx %arg6[%sub3A_909, %add3A_912], %broadcast_in_dim3A_8 masked %and3A_907 : memref<200x128xi32, #tpu.memory_space<vmem>>[vector<16xi32>, vector<16xi32>], vector<16xi32>, vector<16xi1>
      %get3A_913 = arith.index_cast %select_n3A_662 : i32 to index
      %get3A_914 = arith.constant 96 : index
      %get3A_915 = tpu.vector_load %arg4[%get3A_913, %get3A_914] {strides = array<i32>} : memref<20x128xi32, #tpu.memory_space<vmem>>, vector<16xi32>,
      %ge3A_916 = vector.broadcast %mul3A_667 : i32 to vector<16xi32>
      %ge3A_917 = arith.cmpi sge, %get3A_915, %ge3A_916 : vector<16xi32>
      %add3A_918 = arith.constant 200 : i32
      %add3A_919 = arith.addi %mul3A_667, %add3A_918 : i32
      %lt3A_920 = vector.broadcast %add3A_919 : i32 to vector<16xi32>
      %lt3A_921 = arith.cmpi slt, %get3A_915, %lt3A_920 : vector<16xi32>
      %and3A_922 = arith.andi %ge3A_917, %lt3A_921 : vector<16xi1>
      %sub3A_923 = vector.broadcast %mul3A_667 : i32 to vector<16xi32>
      %sub3A_924 = arith.subi %get3A_915, %sub3A_923 : vector<16xi32>
      %add3A_925 = arith.constant 96 : i32
      %add3A_926 = vector.broadcast %add3A_925 : i32 to vector<16xi32>
      %add3A_927 = arith.addi %iota3A, %add3A_926 : vector<16xi32>
      tpu.vector_store_idx %arg6[%sub3A_924, %add3A_927], %broadcast_in_dim3A_8 masked %and3A_922 : memref<200x128xi32, #tpu.memory_space<vmem>>[vector<16xi32>, vector<16xi32>], vector<16xi32>, vector<16xi1>
      %get3A_928 = arith.index_cast %select_n3A_662 : i32 to index
      %get3A_929 = arith.constant 112 : index
      %get3A_930 = tpu.vector_load %arg4[%get3A_928, %get3A_929] {strides = array<i32>} : memref<20x128xi32, #tpu.memory_space<vmem>>, vector<16xi32>,
      %ge3A_931 = vector.broadcast %mul3A_667 : i32 to vector<16xi32>
      %ge3A_932 = arith.cmpi sge, %get3A_930, %ge3A_931 : vector<16xi32>
      %add3A_933 = arith.constant 200 : i32
      %add3A_934 = arith.addi %mul3A_667, %add3A_933 : i32
      %lt3A_935 = vector.broadcast %add3A_934 : i32 to vector<16xi32>
      %lt3A_936 = arith.cmpi slt, %get3A_930, %lt3A_935 : vector<16xi32>
      %and3A_937 = arith.andi %ge3A_932, %lt3A_936 : vector<16xi1>
      %sub3A_938 = vector.broadcast %mul3A_667 : i32 to vector<16xi32>
      %sub3A_939 = arith.subi %get3A_930, %sub3A_938 : vector<16xi32>
      %add3A_940 = arith.constant 112 : i32
      %add3A_941 = vector.broadcast %add3A_940 : i32 to vector<16xi32>
      %add3A_942 = arith.addi %iota3A, %add3A_941 : vector<16xi32>
      tpu.vector_store_idx %arg6[%sub3A_939, %add3A_942], %broadcast_in_dim3A_8 masked %and3A_937 : memref<200x128xi32, #tpu.memory_space<vmem>>[vector<16xi32>, vector<16xi32>], vector<16xi32>, vector<16xi1>
      %dma_start3A_943 = tpu.memref_slice %arg3[%select_n3A_662, %mul3A_667, %mul3A_2] : memref<20x1000x4096xi32, #tpu.memory_space<hbm>> -> memref<1x200x128xi32, #tpu.memory_space<hbm>>
      %dma_start3A_944 = tpu.memref_squeeze %dma_start3A_943 : memref<1x200x128xi32, #tpu.memory_space<hbm>> -> memref<200x128xi32, #tpu.memory_space<hbm>>
      %dma_start3A_945 = tpu.memref_slice %arg3[%select_n3A_662, %mul3A_667, %mul3A_2] : memref<20x1000x4096xi32, #tpu.memory_space<hbm>> -> memref<1x200x128xi32, #tpu.memory_space<hbm>>
      %dma_start3A_946 = tpu.memref_squeeze %dma_start3A_945 : memref<1x200x128xi32, #tpu.memory_space<hbm>> -> memref<200x128xi32, #tpu.memory_space<hbm>>
      tpu.enqueue_dma source(%arg6 : memref<200x128xi32, #tpu.memory_space<vmem>>) target(%dma_start3A_946 : memref<200x128xi32, #tpu.memory_space<hbm>>) target_semaphore(%arg8 : memref<!tpu.dma_semaphore, #tpu.memory_space<semaphore_mem>>)
      %scan3A_947 = arith.constant 0 : i32
      scf.yield %scan3A_947 : i32
    }
    %scan3A_312 = arith.constant 49 : i32
    %dma_wait3A_313 = arith.constant 19 : i32
    %dma_wait3A_314 = arith.constant 600 : i32
    %dma_wait3A_315 = tpu.memref_slice %arg3[%dma_wait3A_313, %dma_wait3A_314, %mul3A_2] : memref<20x1000x4096xi32, #tpu.memory_space<hbm>> -> memref<1x200x128xi32, #tpu.memory_space<hbm>>
    %dma_wait3A_316 = tpu.memref_squeeze %dma_wait3A_315 : memref<1x200x128xi32, #tpu.memory_space<hbm>> -> memref<200x128xi32, #tpu.memory_space<hbm>>
    %dma_wait3A_317 = arith.constant 600 : i32
    %dma_wait3A_318 = tpu.memref_slice %arg3[%dma_wait3A_313, %dma_wait3A_317, %mul3A_2] : memref<20x1000x4096xi32, #tpu.memory_space<hbm>> -> memref<1x200x128xi32, #tpu.memory_space<hbm>>
    %dma_wait3A_319 = tpu.memref_squeeze %dma_wait3A_318 : memref<1x200x128xi32, #tpu.memory_space<hbm>> -> memref<200x128xi32, #tpu.memory_space<hbm>>
    tpu.wait_dma2 semaphore(%arg7 : memref<!tpu.dma_semaphore, #tpu.memory_space<semaphore_mem>>) src(%arg5 : memref<200x128xi32, #tpu.memory_space<vmem>>) dst(%dma_wait3A_319 : memref<200x128xi32, #tpu.memory_space<hbm>>)
    %dma_wait3A_320 = arith.constant 19 : i32
    %dma_wait3A_321 = arith.constant 800 : i32
    %dma_wait3A_322 = tpu.memref_slice %arg3[%dma_wait3A_320, %dma_wait3A_321, %mul3A_2] : memref<20x1000x4096xi32, #tpu.memory_space<hbm>> -> memref<1x200x128xi32, #tpu.memory_space<hbm>>
    %dma_wait3A_323 = tpu.memref_squeeze %dma_wait3A_322 : memref<1x200x128xi32, #tpu.memory_space<hbm>> -> memref<200x128xi32, #tpu.memory_space<hbm>>
    %dma_wait3A_324 = arith.constant 800 : i32
    %dma_wait3A_325 = tpu.memref_slice %arg3[%dma_wait3A_320, %dma_wait3A_324, %mul3A_2] : memref<20x1000x4096xi32, #tpu.memory_space<hbm>> -> memref<1x200x128xi32, #tpu.memory_space<hbm>>
    %dma_wait3A_326 = tpu.memref_squeeze %dma_wait3A_325 : memref<1x200x128xi32, #tpu.memory_space<hbm>> -> memref<200x128xi32, #tpu.memory_space<hbm>>
    tpu.wait_dma2 semaphore(%arg8 : memref<!tpu.dma_semaphore, #tpu.memory_space<semaphore_mem>>) src(%arg6 : memref<200x128xi32, #tpu.memory_space<vmem>>) dst(%dma_wait3A_326 : memref<200x128xi32, #tpu.memory_space<hbm>>)
    return
  }
}

</mosaic_0001>

<sc_bundles>
// kernel: _one_hot_sc.3.cloned.1.call-start
scs
__scs_entry_jumppad:
0x0: {  	(pc) =	sbr.rel $0x88, $3  }
0x1: {  	(tag) =	ssettag $0x0;
	lr =	simm.s32 $0x1  }
0x2: {  	[smem:$0x3FA0] =	sst lr;
	_ =	strace $0xD0000000  }
0x3: {  	_ = 	snop  }
0x4: {  	_ = 	snop  }
0x5: {  	_ = 	snop  }
0x6: {  	_ = 	snop  }
0x7: {  	_ = 	snop  }
__scs_overlays_trampoline_lowered:
0x8: {  	[smem:$0x3FAF] =	sst s0  }
0x9: {  	[smem:$0x3FB0] =	sst s1  }
0xa: {  	[smem:$0x3FB1] =	sst s2  }
0xb: {  	[smem:$0x3FB2] =	sst s3  }
0xc: {  	[smem:$0x3FB3] =	sst s4  }
0xd: {  	[smem:$0x3FB4] =	sst s5  }
0xe: {  	[smem:$0x3FB5] =	sst s6  }
0xf: {  	[smem:$0x3FB6] =	sst s7  }
0x10: {  	[smem:$0x3FB7] =	sst s8  }
0x11: {  	[smem:$0x3FB8] =	sst s9;
	s0 =	simm.s32 @!p0 $0x0  }
0x12: {  	s1 =	sld [smem:$0x3F9E];
	s0 =	simm.s32 @p0 $0x1  }
0x13: {  	[smem:$0x3FB9] =	sst s0;
	s0 =	simm.s32 @!p1 $0x0  }
0x14: {  	s2 =	sld [smem:$0x3F9D];
	s0 =	simm.s32 @p1 $0x1  }
0x15: {  	[smem:$0x3FBA] =	sst s0;
	s0 =	simm.s32 @!p2 $0x0  }
0x16: {  	s3 =	sld [smem:$0x3FDB];
	s0 =	simm.s32 @p2 $0x1  }
0x17: {  	s4 =	simm.s32 $0x1BF5;
	[smem:$0x3FBC] =	sst s0  }
0x18: {  	s0 =	sld [smem:$0x3F9F];
	_ =	swait.ge [sflag:s4], $0x0  }
0x19: {  	s7 =	sld [smem:$0x3FA0]  }
0x1a: {  	s8 =	sadd.s32 $0xFFFFE003, lr  }
0x1b: {  	s9 =	sadd.s32 $0xFFFFFEF7, lr;
	s5 =	simm.s32 $0xFFFFFFFF;
	p2 =	slt.u32 s8, $0xFFFFF086  }
0x1c: {  	p1 =	slt.u32 s9, $0xF7A;
	s5 =	simm.s32 @!p2 $0x0  }
0x1d: {  	s5 =	simm.s32 @p1 $0x1;
	p0 =	seq.s32 s7, s2  }
0x1e: {  	s7 =	smul.u32 @!p0 $0xF7A, s2;
	p2 =	seq.s32 @!p0 s5, $0x0  }
0x1f: {  	s9 =	smul.u32 $0xF7A, s1;
	s8 =	simm.s32 @!p0 $0x1BF5;
	p2 =	por !p2, p0  }
0x20: {  	[sflag:s8] =	ssyncset.s32 @!p0 $0xFFFFF086;
	s6 =	sadd.s32 @!p0 s3, s7;
	s7 =	simm.s32 @!p0 $0x108  }
0x21: {  	s3 =	sadd.s32 s3, s9;
	s6 =	sadd.s32 @!p0 $0x88, s6;
	s7 =	simm.s32 @p2 $0x1082  }
0x22: {  	[simem:s7], [sflag:s8] =	dma.local @!p0 [hbm:s6], $0xF7A  }
0x23: {  	s9 =	sor.u32 $0xD0000000, s2;
	s6 =	simm.s32 $0x108;
	_ =	swait.ge @!p0 [sflag:s8], $0x0  }
0x24: {  	s3 =	sadd.s32 $0x88, s3;
	s6 =	simm.s32 @!p1 $0x1082;
	[sflag:s4] =	ssyncset.s32 $0xFFFFF086  }
0x25: {  	[simem:s6], [sflag:s4] =	dma.local [hbm:s3], $0xF7A  }
0x26: {  	[smem:$0x3FA0] =	sst s1;
	(tag) =	ssettag s2;
	_ =	strace s9  }
0x27: {  	s1 =	sld [smem:$0x3FB0]  }
0x28: {  	s2 =	sld [smem:$0x3FB1]  }
0x29: {  	s4 =	sld [smem:$0x3FB3]  }
0x2a: {  	p0 =	seq.s32 s5, $0x0;
	s5 =	sld [smem:$0x3FB4]  }
0x2b: {  	s6 =	sld [smem:$0x3FB5]  }
0x2c: {  	s7 =	sld [smem:$0x3FB6]  }
0x2d: {  	s3 =	simm.s32 $0x108;
	s8 =	sld [smem:$0x3FB7]  }
0x2e: {  	s3 =	simm.s32 @!p0 $0x1082;
	s9 =	sld [smem:$0x3FB8]  }
0x2f: {  	lr =	sadd.s32 s0, s3;
	s0 =	sld [smem:$0x3FAF]  }
0x30: {  	s3 =	sld [smem:$0x3FB2]  }
0x31: {  	[smem:$0x3FBB] =	sst s10  }
0x32: {  	s10 =	sld [smem:$0x3FB9];
	_ =	sdelay $0x3  }
0x33: {  	p0 =	seq.s32 s10, $0x1;
	s10 =	sld [smem:$0x3FBB];
	_ =	sdelay $0x3  }
0x34: {  	[smem:$0x3FBB] =	sst s10  }
0x35: {  	s10 =	sld [smem:$0x3FBA];
	_ =	sdelay $0x3  }
0x36: {  	p1 =	seq.s32 s10, $0x1;
	s10 =	sld [smem:$0x3FBB];
	_ =	sdelay $0x3  }
0x37: {  	[smem:$0x3FBB] =	sst s10  }
0x38: {  	s10 =	sld [smem:$0x3FBC]  }
0x39: {  	_ = 	snop;
	(pc) =	sbr.ind lr, $3  }
0x3a: {  	_ = 	snop  }
0x3b: {  	_ = 	snop  }
0x3c: {  	p2 =	seq.s32 s10, $0x1;
	s10 =	sld [smem:$0x3FBB]  }
0x3d: {  	_ =	shalt  }
0x3e: {  	_ =	shalt  }
0x3f: {  	_ =	shalt  }
0x40: {  	_ =	shalt  }
0x41: {  	_ =	shalt  }
0x42: {  	_ =	shalt  }
0x43: {  	_ =	shalt  }
0x44: {  	_ =	shalt  }
0x45: {  	_ =	shalt  }
0x46: {  	_ =	shalt  }
0x47: {  	_ =	shalt  }
0x48: {  	_ =	shalt  }
0x49: {  	_ =	shalt  }
0x4a: {  	_ =	shalt  }
0x4b: {  	_ =	shalt  }
0x4c: {  	_ =	shalt  }
0x4d: {  	_ =	shalt  }
0x4e: {  	_ =	shalt  }
0x4f: {  	_ =	shalt  }
0x50: {  	_ =	shalt  }
0x51: {  	_ =	shalt  }
0x52: {  	_ =	shalt  }
0x53: {  	_ =	shalt  }
0x54: {  	_ =	shalt  }
0x55: {  	_ =	shalt  }
0x56: {  	_ =	shalt  }
0x57: {  	_ =	shalt  }
0x58: {  	_ =	shalt  }
0x59: {  	_ =	shalt  }
0x5a: {  	_ =	shalt  }
0x5b: {  	_ =	shalt  }
0x5c: {  	_ =	shalt  }
0x5d: {  	_ =	shalt  }
0x5e: {  	_ =	shalt  }
0x5f: {  	_ =	shalt  }
0x60: {  	_ =	shalt  }
0x61: {  	_ =	shalt  }
0x62: {  	_ =	shalt  }
0x63: {  	_ =	shalt  }
0x64: {  	_ =	shalt  }
0x65: {  	_ =	shalt  }
0x66: {  	_ =	shalt  }
0x67: {  	_ =	shalt  }
0x68: {  	_ =	shalt  }
0x69: {  	_ =	shalt  }
0x6a: {  	_ =	shalt  }
0x6b: {  	_ =	shalt  }
0x6c: {  	_ =	shalt  }
0x6d: {  	_ =	shalt  }
0x6e: {  	_ =	shalt  }
0x6f: {  	_ =	shalt  }
0x70: {  	_ =	shalt  }
0x71: {  	_ =	shalt  }
0x72: {  	_ =	shalt  }
0x73: {  	_ =	shalt  }
0x74: {  	_ =	shalt  }
0x75: {  	_ =	shalt  }
0x76: {  	_ =	shalt  }
0x77: {  	_ =	shalt  }
0x78: {  	_ =	shalt  }
0x79: {  	_ =	shalt  }
0x7a: {  	_ =	shalt  }
0x7b: {  	_ =	shalt  }
0x7c: {  	_ =	shalt  }
0x7d: {  	_ =	shalt  }
0x7e: {  	_ =	shalt  }
0x7f: {  	_ =	shalt  }
0x80: {  	_ =	shalt  }
0x81: {  	_ =	shalt  }
0x82: {  	_ =	shalt  }
0x83: {  	_ =	shalt  }
0x84: {  	_ =	shalt  }
0x85: {  	_ =	shalt  }
0x86: {  	_ =	shalt  }
0x87: {  	_ =	shalt  }
.Lfunc_end0:
.L_simem_size_0:
called_computation_lowered:
.L_overlay_start_0:
0x88: {  	s2 =	sld [smem:$0x3FD9]  }
0x89: {  	s3 =	sld [smem:$0x3FFE];
	_ =	sdelay $0x1  }
0x8a: {  	s1 =	srdreg.scid  }
0x8b: {  	s0 =	sand.u32 $0x1, s1  }
0x8c: {  	s18 =	sshll.u32 s0, $0xA;
	s2 =	sadd.s32 s3, s2  }
0x8d: {  	s2 =	sadd.s32 s2, s18  }
0x8e: {  	[smem:$0x3FC7] =	sst s2  }
0x8f: {  	_ = 	snop  }
0x90: {  	s2 =	sld [smem:$0x3FC9]  }
0x91: {  	s19 =	sld [smem:$0x3FD0];
	(tm) =	ssettm $0x1  }
0x92: {  	s4 =	sld [smem:$0x3FFB];
	_ =	sdelay $0x3  }
0x93: {  	_ =	strace s4  }
0x94: {  	s4 =	sld [smem:$0x3FFC];
	_ =	sdelay $0x3  }
0x95: {  	_ =	strace s4  }
0x96: {  	s4 =	sld [smem:$0x3FFD];
	_ =	sdelay $0x3  }
0x97: {  	_ =	strace s4  }
0x98: {  	_ =	strace $0x8FFFFFFF  }
0x99: {  	s20 =	sld [smem:$0x3FDB];
	_ =	sdelay $0x1  }
0x9a: {  	s5 =	simm.s32 $_scs_section_size  }
0x9b: {  	s6 =	simm.s32 $_size__tile_overlayer_lowered;
	s7 =	simm.s32 $_tile_overlayer_lowered  }
0x9c: {  	s23 =	simm.s32 $0x1BFF;
	s22 =	sshll.u32 s7, $0x1;
	s4 =	sadd.s32 s5, s20  }
0x9d: {  	s8 =	simm.s32 $0x0;
	s21 =	sshll.u32 s6, $0x1;
	s6 =	sadd.s32 s22, s4  }
0x9e: {  	[timem:s8], [sflag:s23] =	dma.local [hbm:s6], s21  }
0x9f: {  	_ =	swait.ge [sflag:s23], s21  }
0xa0: {  	s5 =	ssub.s32 $0x0, s21;
	[sflag:s23] =	ssyncset.done $0x0  }
0xa1: {  	[sflag:s23] =	ssyncadd.s32 s5;
	_ =	sdelay $0x1  }
0xa2: {  	s24 =	simm.s32 $0x1B8B  }
0xa3: {  	_ =	swait.ge [sflag:s24], $0x1  }
0xa4: {  	[sflag:s24] =	ssyncset.done $0x0  }
0xa5: {  	s25 =	simm.s32 $0x1B8E;
	[sflag:s24] =	ssyncadd.s32 $0xFFFFFFFF  }
0xa6: {  	s26 =	simm.s32 $execute0_lowered;
	[smem:$0x3FD2] =	sst s25  }
0xa7: {  	s5 =	sshll.u32 s26, $0x1;
	_ =	strace $0x80000046;
	[dreg:$0x1] =	wrdreg $0xFFFFFFFF  }
0xa8: {  	s28 =	simm.s32 $_size_execute0_lowered;
	s4 =	sadd.s32 s4, s5;
	[dreg:$0x0] =	wrdreg $0x0  }
0xa9: {  	s5 =	sshll.u32 s28, $0x1;
	[dreg:$0x2] =	wrdreg s4  }
0xaa: {  	[dreg:$0x3] =	wrdreg s5  }
0xab: {  	[dreg:$0x4] =	wrdreg $0xC0  }
0xac: {  	_ =	task [dreg:s8], $0x5FFFF  }
0xad: {  	[dreg:$0x1] =	wrdreg $0xFFFFFFFF  }
0xae: {  	[dreg:$0x0] =	wrdreg $0x60  }
0xaf: {  	[dreg:$0x2] =	wrdreg s2  }
0xb0: {  	[dreg:$0x3] =	wrdreg s19  }
0xb1: {  	[dreg:$0x4] =	wrdreg $0x9  }
0xb2: {  	_ =	task.clear_ibuf [dreg:s8], $0x5FFFF;
	_ =	strace $0x90000046  }
0xb3: {  	s29 =	simm.s32 $0x9;
	_ =	strace $0x80000048  }
0xb4: {  	_ =	swait.ge [sflag:s29], $0x1  }
0xb5: {  	[sflag:s29] =	ssyncadd.s32 $0xFFFFFFFF  }
0xb6: {  	_ =	strace $0x90000048  }
0xb7: {  	_ =	sfence  }
0xb8: {  	s30 =	sld [smem:$0x0];
	_ =	sdelay $0x2  }
0xb9: {  	s31 =	sshll.u32 s1, $0xD;
	s1 =	sshrl.u32 s1, $0x2  }
0xba: {  	s3 =	sand.u32 $0x4000, s31;
	s1 =	sadd.s32 s1, s30  }
0xbb: {  	s0 =	sor.u32 s3, s0;
	s1 =	sshll.u32 s1, $0x11  }
0xbc: {  	s0 =	sor.u32 s1, s0  }
0xbd: {  	s0 =	sadd.s32 $0x8F2B, s0  }
0xbe: {  	[sflag:s0] =	ssyncadd.remote.s32 $0x1  }
0xbf: {  	_ =	sfence.sel $0xFFFF  }
0xc0: {  	[dreg:$0x0] =	wrdreg $0xFFFFFFFF;
	(pc) =	sbr.abs _section_cstart, $3  }
0xc1: {  	[dreg:$0x1] =	wrdreg $0xFFFFFFFF  }
0xc2: {  	_ =	task.clear_ibuf [dreg:s8], $0x2FFFF;
	_ =	strace $0x9FFFFFFF  }
0xc3: {  	(tm) =	ssettm $0x7FFFFFFF  }
tec
execute0_lowered:
.L_overlay_start_1:
0x0: {  	(tag) =	ssettag $0x1  }
0x1: {  	s4 =	rddreg [dreg:$0x0]  }
0x2: {  	s2 =	rddreg [dreg:$0x1]  }
0x3: {  	s3 =	srdreg.scid;
	s1 =	stileid.u32;
	s11 =	simm.s32 $0x400  }
0x4: {  	s12 =	simm.s32 $0x8000;
	s13 =	simm.s32 $0x800;
	s14 =	simm.s32 $0x1  }
0x5: {  	s15 =	simm.s32 $0xC00;
	s16 =	simm.s32 $0x7000;
	s17 =	simm.s32 $0x2  }
0x6: {  	s18 =	simm.s32 $0x0;
	s5 =	sand.u32 $0x1, s3;
	s3 =	simm.s32 $0x0  }
0x7: {  	v0 =	vimm.s32 $0x0;
	v1 =	vlaneseq.u32;
	v2 =	vimm.s32 $0x1;
	s6 =	sshll.u32 s1, $0xB;
	s7 =	sshll.u32 s5, $0xA;
	s5 =	ssub.s32 $0x2, s5  }
0x8: {  	v3 =	vor.u32 $0x10, v1;
	v4 =	vor.u32 $0x20, v1;
	v5 =	vor.u32 $0x30, v1;
	[smem:$0x7FF] =	sst s3;
	s10 =	sor.u32 s7, s6;
	s31 =	sshrl.u32 s5, $0x1  }
0x9: {  	v6 =	vor.u32 $0x40, v1;
	v7 =	vor.u32 $0x50, v1;
	v8 =	vor.u32 $0x60, v1;
	_ =	strace $0x80000047;
	s7 =	sshrl.u32 s10, $0x3;
	s8 =	ssub.s32 s5, s31  }
0xa: {  	v9 =	vor.u32 $0x70, v1;
	v10 =	vor.u32 $0xFFFF9C00, v1;
	v11 =	vor.u32 $0xFFFF9C10, v1;
	s9 =	sor.u32 $0x258000, s10;
	s10 =	sor.u32 $0x190000, s10;
	s4 =	sadd.s32 s4, s7  }
0xb: {  	v12 =	vor.u32 $0xFFFF9C20, v1;
	v13 =	vor.u32 $0xFFFF9C30, v1;
	v14 =	vor.u32 $0xFFFF9C40, v1;
	s6 =	sadd.s32 s2, s7;
	s9 =	sshrl.u32 s9, $0x3;
	s8 =	smax.u32 s8, $0x1  }
0xc: {  	v15 =	vor.u32 $0xFFFF9C50, v1;
	v16 =	vor.u32 $0xFFFF9C60, v1;
	v17 =	vor.u32 $0xFFFF9C70, v1;
	s5 =	sadd.s32 $0x2000, s4;
	s7 =	sadd.s32 $0x19000, s6;
	s9 =	sadd.s32 s9, s2  }
.LBB2_1:
0xd: {  	[tilespmem:s3], [sflag:$0x1] =	stream.strided.gather [hbm4b:s4+s11], $0x800, s12, s11, $0x38;
	[tilespmem:$0xD400] =	vst v63  }
0xe: {  	s19 =	simm.s32 $0x40;
	s20 =	simm.s32 $0x300  }
0xf: {  	[tilespmem:s13], [sflag:$0x1] =	stream.linear.gather [hbm4b:s5+s3], $0x200, $0x38;
	[tilespmem:$0xD400] =	vst v63  }
.LBB2_2:
0x10: {  	p0 =	sne.s32 s20, $0xC700;
	[tilespmem:s19+$0x3E30] =	vst v0  }
0x11: {  	[tilespmem:s19+$0xBC0] =	vst v0  }
0x12: {  	[tilespmem:s19+$0x3DC0] =	vst v0  }
0x13: {  	[tilespmem:s19+$0xBD0] =	vst v0  }
0x14: {  	[tilespmem:s19+$0x3DD0] =	vst v0  }
0x15: {  	[tilespmem:s19+$0xBE0] =	vst v0  }
0x16: {  	[tilespmem:s19+$0x3DE0] =	vst v0  }
0x17: {  	[tilespmem:s19+$0xBF0] =	vst v0  }
0x18: {  	[tilespmem:s19+$0x3DF0] =	vst v0  }
0x19: {  	[tilespmem:s19+$0xC00] =	vst v0  }
0x1a: {  	[tilespmem:s19+$0x3E00] =	vst v0  }
.Ltmp0:
0x1b: {  	[tilespmem:s19+$0xC10] =	vst v0;
	(pc) =	sbr.rel @p0 .LBB2_2-.Ltmp0, $4  }
0x1c: {  	[tilespmem:s19+$0x3E10] =	vst v0  }
0x1d: {  	[tilespmem:s19+$0xC20] =	vst v0  }
0x1e: {  	[tilespmem:s19+$0x3E20] =	vst v0  }
0x1f: {  	[tilespmem:s19+$0xC30] =	vst v0;
	s19 =	sshra.s32 s20, $0x2;
	s20 =	sadd.s32 $0x200, s20  }
0x20: {  	[tilespmem:s19+$0x3E30] =	vst v0  }
0x21: {  	[tilespmem:s19+$0xBC0] =	vst v0  }
0x22: {  	[tilespmem:s19+$0x3DC0] =	vst v0  }
0x23: {  	[tilespmem:s19+$0xBD0] =	vst v0  }
0x24: {  	[tilespmem:s19+$0x3DD0] =	vst v0  }
0x25: {  	[tilespmem:s19+$0xBE0] =	vst v0  }
0x26: {  	[tilespmem:s19+$0x3DE0] =	vst v0  }
0x27: {  	[tilespmem:s19+$0xBF0] =	vst v0  }
0x28: {  	[tilespmem:s19+$0x3DF0] =	vst v0  }
0x29: {  	[tilespmem:s19+$0xC00] =	vst v0  }
0x2a: {  	[tilespmem:s19+$0x3E00] =	vst v0  }
0x2b: {  	[tilespmem:s19+$0xC10] =	vst v0  }
0x2c: {  	[tilespmem:s19+$0x3E10] =	vst v0  }
0x2d: {  	[tilespmem:s19+$0xC20] =	vst v0  }
0x2e: {  	[tilespmem:s19+$0x3E20] =	vst v0  }
0x2f: {  	[tilespmem:s19+$0xC30] =	vst v0  }
0x30: {  	_ =	swait.ge [sflag:s14], $0xA00  }
0x31: {  	[sflag:s14] =	ssyncset.done $0x0  }
0x32: {  	[sflag:s14] =	ssyncadd.s32 $0xFFFFF600  }
0x33: {  	v18 =	vld [tilespmem:$0x0];
	_ =	sdelay $0x4  }
0x34: {  	vm0 =	vlt.u32 v18, $0xC8;
	v18 =	vshll.u32 v18, $0x7  }
0x35: {  	v18 =	vor.u32 v1, v18;
	_ =	sdelay $0x4  }
0x36: {  	[tilespmem:v18+s15+$0x0] =	vst.idx.msk vm0, v2  }
0x37: {  	v18 =	vld [tilespmem:$0x10];
	_ =	sdelay $0x4  }
0x38: {  	vm9 =	vlt.u32 v18, $0xC8;
	v18 =	vshll.u32 v18, $0x7  }
0x39: {  	v18 =	vor.u32 v3, v18;
	_ =	sdelay $0x4  }
0x3a: {  	[tilespmem:v18+s15+$0x0] =	vst.idx.msk vm9, v2  }
0x3b: {  	v18 =	vld [tilespmem:$0x20];
	_ =	sdelay $0x4  }
0x3c: {  	vm10 =	vlt.u32 v18, $0xC8;
	v18 =	vshll.u32 v18, $0x7  }
0x3d: {  	v18 =	vor.u32 v4, v18;
	_ =	sdelay $0x4  }
0x3e: {  	[tilespmem:v18+s15+$0x0] =	vst.idx.msk vm10, v2  }
0x3f: {  	v18 =	vld [tilespmem:$0x30];
	_ =	sdelay $0x4  }
0x40: {  	vm11 =	vlt.u32 v18, $0xC8;
	v18 =	vshll.u32 v18, $0x7  }
0x41: {  	v18 =	vor.u32 v5, v18;
	_ =	sdelay $0x4  }
0x42: {  	[tilespmem:v18+s15+$0x0] =	vst.idx.msk vm11, v2  }
0x43: {  	v18 =	vld [tilespmem:$0x40];
	_ =	sdelay $0x4  }
0x44: {  	vm12 =	vlt.u32 v18, $0xC8;
	v18 =	vshll.u32 v18, $0x7  }
0x45: {  	v18 =	vor.u32 v6, v18;
	_ =	sdelay $0x4  }
0x46: {  	[tilespmem:v18+s15+$0x0] =	vst.idx.msk vm12, v2  }
0x47: {  	v18 =	vld [tilespmem:$0x50];
	_ =	sdelay $0x4  }
0x48: {  	vm13 =	vlt.u32 v18, $0xC8;
	v18 =	vshll.u32 v18, $0x7  }
0x49: {  	v18 =	vor.u32 v7, v18;
	_ =	sdelay $0x4  }
0x4a: {  	[tilespmem:v18+s15+$0x0] =	vst.idx.msk vm13, v2  }
0x4b: {  	v18 =	vld [tilespmem:$0x60];
	_ =	sdelay $0x4  }
0x4c: {  	vm14 =	vlt.u32 v18, $0xC8;
	v18 =	vshll.u32 v18, $0x7  }
0x4d: {  	v18 =	vor.u32 v8, v18;
	_ =	sdelay $0x4  }
0x4e: {  	[tilespmem:v18+s15+$0x0] =	vst.idx.msk vm14, v2  }
0x4f: {  	v18 =	vld [tilespmem:$0x70];
	_ =	sdelay $0x4  }
0x50: {  	vm15 =	vlt.u32 v18, $0xC8;
	v18 =	vshll.u32 v18, $0x7  }
0x51: {  	v18 =	vor.u32 v9, v18;
	_ =	sdelay $0x4  }
0x52: {  	s19 =	simm.s32 $0x40;
	s20 =	simm.s32 $0x300;
	[tilespmem:v18+s15+$0x0] =	vst.idx.msk vm15, v2  }
0x53: {  	[hbm4b:s6+s11] =	stream.strided.scatter [tilespmem:s15], [sflag:$0x1], $0x6400, s12, s11, $0x38;
	[tilespmem:$0xD400] =	vst v63  }
.LBB2_4:
0x54: {  	p0 =	sne.s32 s20, $0xC700;
	[tilespmem:s19+$0xA230] =	vst v0  }
0x55: {  	[tilespmem:s19+$0x6FC0] =	vst v0  }
0x56: {  	[tilespmem:s19+$0xA1C0] =	vst v0  }
0x57: {  	[tilespmem:s19+$0x6FD0] =	vst v0  }
0x58: {  	[tilespmem:s19+$0xA1D0] =	vst v0  }
0x59: {  	[tilespmem:s19+$0x6FE0] =	vst v0  }
0x5a: {  	[tilespmem:s19+$0xA1E0] =	vst v0  }
0x5b: {  	[tilespmem:s19+$0x6FF0] =	vst v0  }
0x5c: {  	[tilespmem:s19+$0xA1F0] =	vst v0  }
0x5d: {  	[tilespmem:s19+$0x7000] =	vst v0  }
0x5e: {  	[tilespmem:s19+$0xA200] =	vst v0  }
.Ltmp1:
0x5f: {  	[tilespmem:s19+$0x7010] =	vst v0;
	(pc) =	sbr.rel @p0 .LBB2_4-.Ltmp1, $4  }
0x60: {  	[tilespmem:s19+$0xA210] =	vst v0  }
0x61: {  	[tilespmem:s19+$0x7020] =	vst v0  }
0x62: {  	[tilespmem:s19+$0xA220] =	vst v0  }
0x63: {  	[tilespmem:s19+$0x7030] =	vst v0;
	s19 =	sshra.s32 s20, $0x2;
	s20 =	sadd.s32 $0x200, s20  }
0x64: {  	[tilespmem:s19+$0xA230] =	vst v0  }
0x65: {  	[tilespmem:s19+$0x6FC0] =	vst v0  }
0x66: {  	[tilespmem:s19+$0xA1C0] =	vst v0  }
0x67: {  	[tilespmem:s19+$0x6FD0] =	vst v0  }
0x68: {  	[tilespmem:s19+$0xA1D0] =	vst v0  }
0x69: {  	[tilespmem:s19+$0x6FE0] =	vst v0  }
0x6a: {  	[tilespmem:s19+$0xA1E0] =	vst v0  }
0x6b: {  	[tilespmem:s19+$0x6FF0] =	vst v0  }
0x6c: {  	[tilespmem:s19+$0xA1F0] =	vst v0  }
0x6d: {  	[tilespmem:s19+$0x7000] =	vst v0  }
0x6e: {  	[tilespmem:s19+$0xA200] =	vst v0  }
0x6f: {  	[tilespmem:s19+$0x7010] =	vst v0  }
0x70: {  	[tilespmem:s19+$0xA210] =	vst v0  }
0x71: {  	[tilespmem:s19+$0x7020] =	vst v0  }
0x72: {  	[tilespmem:s19+$0xA220] =	vst v0  }
0x73: {  	[tilespmem:s19+$0x7030] =	vst v0  }
0x74: {  	v18 =	vld [tilespmem:$0x0];
	_ =	sdelay $0x4  }
0x75: {  	v19 =	vadd.s32 $0xFFFFFF38, v18  }
0x76: {  	v18 =	vshll.u32 v18, $0x7;
	vm0 =	vlt.u32 v19, $0xC8  }
0x77: {  	v18 =	vadd.s32 v10, v18;
	_ =	sdelay $0x4  }
0x78: {  	[tilespmem:v18+s16+$0x0] =	vst.idx.msk vm0, v2  }
0x79: {  	v18 =	vld [tilespmem:$0x10];
	_ =	sdelay $0x4  }
0x7a: {  	v19 =	vadd.s32 $0xFFFFFF38, v18  }
0x7b: {  	v18 =	vshll.u32 v18, $0x7;
	vm9 =	vlt.u32 v19, $0xC8  }
0x7c: {  	v18 =	vadd.s32 v11, v18;
	_ =	sdelay $0x4  }
0x7d: {  	[tilespmem:v18+s16+$0x0] =	vst.idx.msk vm9, v2  }
0x7e: {  	v18 =	vld [tilespmem:$0x20];
	_ =	sdelay $0x4  }
0x7f: {  	v19 =	vadd.s32 $0xFFFFFF38, v18  }
0x80: {  	v18 =	vshll.u32 v18, $0x7;
	vm10 =	vlt.u32 v19, $0xC8  }
0x81: {  	v18 =	vadd.s32 v12, v18;
	_ =	sdelay $0x4  }
0x82: {  	[tilespmem:v18+s16+$0x0] =	vst.idx.msk vm10, v2  }
0x83: {  	v18 =	vld [tilespmem:$0x30];
	_ =	sdelay $0x4  }
0x84: {  	v19 =	vadd.s32 $0xFFFFFF38, v18  }
0x85: {  	v18 =	vshll.u32 v18, $0x7;
	vm11 =	vlt.u32 v19, $0xC8  }
0x86: {  	v18 =	vadd.s32 v13, v18;
	_ =	sdelay $0x4  }
0x87: {  	[tilespmem:v18+s16+$0x0] =	vst.idx.msk vm11, v2  }
0x88: {  	v18 =	vld [tilespmem:$0x40];
	_ =	sdelay $0x4  }
0x89: {  	v19 =	vadd.s32 $0xFFFFFF38, v18  }
0x8a: {  	v18 =	vshll.u32 v18, $0x7;
	vm12 =	vlt.u32 v19, $0xC8  }
0x8b: {  	v18 =	vadd.s32 v14, v18;
	_ =	sdelay $0x4  }
0x8c: {  	[tilespmem:v18+s16+$0x0] =	vst.idx.msk vm12, v2  }
0x8d: {  	v18 =	vld [tilespmem:$0x50];
	_ =	sdelay $0x4  }
0x8e: {  	v19 =	vadd.s32 $0xFFFFFF38, v18  }
0x8f: {  	v18 =	vshll.u32 v18, $0x7;
	vm13 =	vlt.u32 v19, $0xC8  }
0x90: {  	v18 =	vadd.s32 v15, v18;
	_ =	sdelay $0x4  }
0x91: {  	[tilespmem:v18+s16+$0x0] =	vst.idx.msk vm13, v2  }
0x92: {  	v18 =	vld [tilespmem:$0x60];
	_ =	sdelay $0x4  }
0x93: {  	v19 =	vadd.s32 $0xFFFFFF38, v18  }
0x94: {  	v18 =	vshll.u32 v18, $0x7;
	vm14 =	vlt.u32 v19, $0xC8  }
0x95: {  	v18 =	vadd.s32 v16, v18;
	_ =	sdelay $0x4  }
0x96: {  	[tilespmem:v18+s16+$0x0] =	vst.idx.msk vm14, v2  }
0x97: {  	v18 =	vld [tilespmem:$0x70];
	_ =	sdelay $0x4  }
0x98: {  	v19 =	vadd.s32 $0xFFFFFF38, v18  }
0x99: {  	v18 =	vshll.u32 v18, $0x7;
	vm15 =	vlt.u32 v19, $0xC8  }
0x9a: {  	v18 =	vadd.s32 v17, v18;
	_ =	sdelay $0x2  }
0x9b: {  	s26 =	simm.s32 $0x0;
	s19 =	simm.s32 $0x3  }
0x9c: {  	s20 =	simm.s32 $0x2;
	s21 =	simm.s32 $0x1;
	s22 =	smov.u32 s10  }
0x9d: {  	s23 =	smov.u32 s9;
	s24 =	simm.s32 $0x0;
	s25 =	simm.s32 $0x1;
	[tilespmem:v18+s16+$0x0] =	vst.idx.msk vm15, v2  }
0x9e: {  	[hbm4b:s7+s11] =	stream.strided.scatter [tilespmem:s16], [sflag:$0x2], $0x6400, s12, s11, $0x38;
	[tilespmem:$0xD400] =	vst v63  }
.LBB2_6:
0x9f: {  	s28 =	sshll.u32 s26, $0x18  }
0xa0: {  	s29 =	sshra.s32 s28, $0x18  }
0xa1: {  	s29 =	smul.u32 $0x67, s29;
	_ =	sdelay $0x1  }
0xa2: {  	s30 =	sshrl.u32 s29, $0x1F;
	s29 =	sshra.s32 s29, $0x9  }
0xa3: {  	s29 =	sadd.s32 s30, s29  }
0xa4: {  	s30 =	smul.u32 $0xFFFFFFFB, s29  }
0xa5: {  	s31 =	ssub.s32 $0x0, s26  }
0xa6: {  	s31 =	sand.u32 $0xFF, s31;
	s30 =	sand.u32 $0xFF, s30  }
0xa7: {  	p0 =	slt.u32 s25, $0x2;
	p1 =	sne.s32 s30, s31  }
0xa8: {  	p0 =	por !p0, !p1  }
0xa9: {  	s30 =	simm.s32 $0x1;
	p0 =	por !p0, !p0  }
0xaa: {  	s30 =	simm.s32 @!p0 $0x0  }
0xab: {  	s0 =	smulhi.u32 $0xCCCCCCCD, s26;
	_ =	swait.ge [sflag:s14], $0x6400;
	s29 =	ssub.s32 s29, s30  }
0xac: {  	[sflag:s14] =	ssyncset.done $0x0;
	s29 =	sshll.u32 s29, $0x9  }
0xad: {  	[sflag:s14] =	ssyncadd.s32 $0xFFFF9C00;
	s31 =	sshrl.u32 s0, $0x2;
	s29 =	sshra.s32 s29, $0x2  }
0xae: {  	s30 =	ssub.s32 s31, s30;
	v18 =	vld [tilespmem:s29+$0x0]  }
0xaf: {  	s30 =	smul.u32 $0xFFFFFC18, s30;
	_ =	sdelay $0x1  }
0xb0: {  	s30 =	sadd.s32 s30, s24  }
0xb1: {  	v19 =	vmov s30;
	s0 =	sadd.s32 $0xC8, s30  }
0xb2: {  	vm0 =	vge.s32 v18, s30;
	vm1 =	vlt.s32 v18, s0;
	v18 =	vsub.s32 v18, v19  }
0xb3: {  	vm0 =	vmand vm0, vm1;
	v18 =	vshll.u32 v18, $0x7  }
0xb4: {  	v18 =	vor.u32 v1, v18;
	_ =	sdelay $0x4  }
0xb5: {  	[tilespmem:v18+s15+$0x0] =	vst.idx.msk vm0, v0  }
0xb6: {  	v18 =	vld [tilespmem:s29+$0x10];
	_ =	sdelay $0x4  }
0xb7: {  	vm14 =	vge.s32 v18, s30;
	vm15 =	vlt.s32 v18, s0;
	v18 =	vsub.s32 v18, v19  }
0xb8: {  	vm0 =	vmand vm14, vm15;
	v18 =	vshll.u32 v18, $0x7  }
0xb9: {  	v18 =	vor.u32 v3, v18;
	_ =	sdelay $0x4  }
0xba: {  	[tilespmem:v18+s15+$0x0] =	vst.idx.msk vm0, v0  }
0xbb: {  	v18 =	vld [tilespmem:s29+$0x20];
	_ =	sdelay $0x4  }
0xbc: {  	vm4 =	vge.s32 v18, s30;
	vm5 =	vlt.s32 v18, s0;
	v18 =	vsub.s32 v18, v19  }
0xbd: {  	vm0 =	vmand vm4, vm5;
	v18 =	vshll.u32 v18, $0x7  }
0xbe: {  	v18 =	vor.u32 v4, v18;
	_ =	sdelay $0x4  }
0xbf: {  	[tilespmem:v18+s15+$0x0] =	vst.idx.msk vm0, v0  }
0xc0: {  	v18 =	vld [tilespmem:s29+$0x30];
	_ =	sdelay $0x4  }
0xc1: {  	vm6 =	vge.s32 v18, s30;
	vm7 =	vlt.s32 v18, s0;
	v18 =	vsub.s32 v18, v19  }
0xc2: {  	vm0 =	vmand vm6, vm7;
	v18 =	vshll.u32 v18, $0x7  }
0xc3: {  	v18 =	vor.u32 v5, v18;
	_ =	sdelay $0x4  }
0xc4: {  	[tilespmem:v18+s15+$0x0] =	vst.idx.msk vm0, v0  }
0xc5: {  	v18 =	vld [tilespmem:s29+$0x40];
	_ =	sdelay $0x4  }
0xc6: {  	vm8 =	vge.s32 v18, s30;
	vm9 =	vlt.s32 v18, s0;
	v18 =	vsub.s32 v18, v19  }
0xc7: {  	vm0 =	vmand vm8, vm9;
	v18 =	vshll.u32 v18, $0x7  }
0xc8: {  	v18 =	vor.u32 v6, v18;
	_ =	sdelay $0x4  }
0xc9: {  	[tilespmem:v18+s15+$0x0] =	vst.idx.msk vm0, v0  }
0xca: {  	v18 =	vld [tilespmem:s29+$0x50];
	_ =	sdelay $0x4  }
0xcb: {  	vm10 =	vge.s32 v18, s30;
	vm11 =	vlt.s32 v18, s0;
	v18 =	vsub.s32 v18, v19  }
0xcc: {  	vm0 =	vmand vm10, vm11;
	v18 =	vshll.u32 v18, $0x7  }
0xcd: {  	v18 =	vor.u32 v7, v18;
	_ =	sdelay $0x4  }
0xce: {  	[tilespmem:v18+s15+$0x0] =	vst.idx.msk vm0, v0  }
0xcf: {  	v18 =	vld [tilespmem:s29+$0x60];
	_ =	sdelay $0x4  }
0xd0: {  	vm12 =	vge.s32 v18, s30;
	vm13 =	vlt.s32 v18, s0;
	v18 =	vsub.s32 v18, v19  }
0xd1: {  	vm0 =	vmand vm12, vm13;
	v18 =	vshll.u32 v18, $0x7  }
0xd2: {  	v18 =	vor.u32 v8, v18;
	_ =	sdelay $0x4  }
0xd3: {  	[tilespmem:v18+s15+$0x0] =	vst.idx.msk vm0, v0  }
0xd4: {  	v18 =	vld [tilespmem:s29+$0x70];
	_ =	sdelay $0x4  }
0xd5: {  	vm14 =	vge.s32 v18, s30;
	vm15 =	vlt.s32 v18, s0;
	v18 =	vsub.s32 v18, v19  }
0xd6: {  	vm0 =	vmand vm14, vm15;
	v18 =	vshll.u32 v18, $0x7  }
0xd7: {  	v18 =	vor.u32 v9, v18  }
0xd8: {  	s29 =	smul.u32 $0xCD, s26;
	_ =	sdelay $0x1  }
0xd9: {  	s30 =	smulhi.u32 $0xCCCCCCCD, s20;
	s0 =	sadd.s32 $0x19A, s29  }
0xda: {  	s31 =	sshrl.u32 s0, $0x3  }
0xdb: {  	s30 =	sshrl.u32 s30, $0x2;
	s31 =	sand.u32 $0x1F80, s31;
	[tilespmem:v18+s15+$0x0] =	vst.idx.msk vm0, v0  }
0xdc: {  	s30 =	smul.u32 $0x3E8, s30;
	v18 =	vld [tilespmem:s31+$0x0];
	_ =	sdelay $0x1  }
0xdd: {  	s30 =	ssub.s32 s24, s30  }
0xde: {  	s0 =	sadd.s32 $0x190, s30  }
0xdf: {  	s30 =	sadd.s32 $0x258, s30;
	v19 =	vmov s0  }
0xe0: {  	vm4 =	vge.s32 v18, s0;
	vm5 =	vlt.s32 v18, s30;
	v18 =	vsub.s32 v18, v19  }
0xe1: {  	vm0 =	vmand vm4, vm5;
	v18 =	vshll.u32 v18, $0x7  }
0xe2: {  	v18 =	vor.u32 v1, v18;
	_ =	sdelay $0x4  }
0xe3: {  	[tilespmem:v18+s15+$0x0] =	vst.idx.msk vm0, v2  }
0xe4: {  	v18 =	vld [tilespmem:s31+$0x10];
	_ =	sdelay $0x4  }
0xe5: {  	vm6 =	vge.s32 v18, s0;
	vm7 =	vlt.s32 v18, s30;
	v18 =	vsub.s32 v18, v19  }
0xe6: {  	vm0 =	vmand vm6, vm7;
	v18 =	vshll.u32 v18, $0x7  }
0xe7: {  	v18 =	vor.u32 v3, v18;
	_ =	sdelay $0x4  }
0xe8: {  	[tilespmem:v18+s15+$0x0] =	vst.idx.msk vm0, v2  }
0xe9: {  	v18 =	vld [tilespmem:s31+$0x20];
	_ =	sdelay $0x4  }
0xea: {  	vm8 =	vge.s32 v18, s0;
	vm9 =	vlt.s32 v18, s30;
	v18 =	vsub.s32 v18, v19  }
0xeb: {  	vm0 =	vmand vm8, vm9;
	v18 =	vshll.u32 v18, $0x7  }
0xec: {  	v18 =	vor.u32 v4, v18;
	_ =	sdelay $0x4  }
0xed: {  	[tilespmem:v18+s15+$0x0] =	vst.idx.msk vm0, v2  }
0xee: {  	v18 =	vld [tilespmem:s31+$0x30];
	_ =	sdelay $0x4  }
0xef: {  	vm10 =	vge.s32 v18, s0;
	vm11 =	vlt.s32 v18, s30;
	v18 =	vsub.s32 v18, v19  }
0xf0: {  	vm0 =	vmand vm10, vm11;
	v18 =	vshll.u32 v18, $0x7  }
0xf1: {  	v18 =	vor.u32 v5, v18;
	_ =	sdelay $0x4  }
0xf2: {  	[tilespmem:v18+s15+$0x0] =	vst.idx.msk vm0, v2  }
0xf3: {  	v18 =	vld [tilespmem:s31+$0x40];
	_ =	sdelay $0x4  }
0xf4: {  	vm12 =	vge.s32 v18, s0;
	vm13 =	vlt.s32 v18, s30;
	v18 =	vsub.s32 v18, v19  }
0xf5: {  	vm0 =	vmand vm12, vm13;
	v18 =	vshll.u32 v18, $0x7  }
0xf6: {  	v18 =	vor.u32 v6, v18;
	_ =	sdelay $0x4  }
0xf7: {  	[tilespmem:v18+s15+$0x0] =	vst.idx.msk vm0, v2  }
0xf8: {  	v18 =	vld [tilespmem:s31+$0x50];
	_ =	sdelay $0x4  }
0xf9: {  	vm14 =	vge.s32 v18, s0;
	vm15 =	vlt.s32 v18, s30;
	v18 =	vsub.s32 v18, v19  }
0xfa: {  	vm0 =	vmand vm14, vm15;
	v18 =	vshll.u32 v18, $0x7  }
0xfb: {  	v18 =	vor.u32 v7, v18;
	_ =	sdelay $0x4  }
0xfc: {  	[tilespmem:v18+s15+$0x0] =	vst.idx.msk vm0, v2  }
0xfd: {  	v18 =	vld [tilespmem:s31+$0x60];
	_ =	sdelay $0x4  }
0xfe: {  	vm4 =	vge.s32 v18, s0;
	vm5 =	vlt.s32 v18, s30;
	v18 =	vsub.s32 v18, v19  }
0xff: {  	vm0 =	vmand vm4, vm5;
	v18 =	vshll.u32 v18, $0x7  }
0x100: {  	v18 =	vor.u32 v8, v18;
	_ =	sdelay $0x4  }
0x101: {  	[tilespmem:v18+s15+$0x0] =	vst.idx.msk vm0, v2  }
0x102: {  	v18 =	vld [tilespmem:s31+$0x70];
	_ =	sdelay $0x4  }
0x103: {  	vm6 =	vge.s32 v18, s0;
	vm7 =	vlt.s32 v18, s30;
	v18 =	vsub.s32 v18, v19  }
0x104: {  	vm0 =	vmand vm6, vm7;
	v18 =	vshll.u32 v18, $0x7  }
0x105: {  	v18 =	vor.u32 v9, v18;
	_ =	sdelay $0x2  }
0x106: {  	s31 =	sadd.s32 $0x1000000, s28  }
0x107: {  	s30 =	sshrl.u32 s22, $0x3;
	s0 =	sshra.s32 s31, $0x18  }
0x108: {  	s28 =	sadd.s32 s2, s30;
	s0 =	smul.u32 $0x67, s0;
	[tilespmem:v18+s15+$0x0] =	vst.idx.msk vm0, v2  }
0x109: {  	[hbm4b:s28+s11] =	stream.strided.scatter [tilespmem:s15], [sflag:$0x1], $0x6400, s12, s11, $0x38;
	[tilespmem:$0xD400] =	vst v63  }
0x10a: {  	s28 =	sshrl.u32 s0, $0x1F;
	s0 =	sshrl.u32 s0, $0x9  }
0x10b: {  	s31 =	smulhi.u32 $0xCCCCCCCD, s21;
	_ =	swait.ge [sflag:s17], $0x6400;
	s0 =	sadd.s32 s28, s0  }
0x10c: {  	[sflag:s17] =	ssyncset.done $0x0;
	s0 =	sshll.u32 s0, $0x9  }
0x10d: {  	s30 =	sshrl.u32 s31, $0x2;
	[sflag:s17] =	ssyncadd.s32 $0xFFFF9C00;
	s0 =	sshra.s32 s0, $0x2  }
0x10e: {  	s28 =	smul.u32 $0x3E8, s30;
	v18 =	vld [tilespmem:s0+$0x0];
	_ =	sdelay $0x1  }
0x10f: {  	s28 =	ssub.s32 s24, s28  }
0x110: {  	s31 =	sadd.s32 $0xC8, s28  }
0x111: {  	s28 =	sadd.s32 $0x190, s28;
	v19 =	vmov s31  }
0x112: {  	vm8 =	vge.s32 v18, s31;
	vm9 =	vlt.s32 v18, s28;
	v18 =	vsub.s32 v18, v19  }
0x113: {  	vm0 =	vmand vm8, vm9;
	v18 =	vshll.u32 v18, $0x7  }
0x114: {  	v18 =	vor.u32 v1, v18;
	_ =	sdelay $0x4  }
0x115: {  	[tilespmem:v18+s16+$0x0] =	vst.idx.msk vm0, v0  }
0x116: {  	v18 =	vld [tilespmem:s0+$0x10];
	_ =	sdelay $0x4  }
0x117: {  	vm10 =	vge.s32 v18, s31;
	vm11 =	vlt.s32 v18, s28;
	v18 =	vsub.s32 v18, v19  }
0x118: {  	vm0 =	vmand vm10, vm11;
	v18 =	vshll.u32 v18, $0x7  }
0x119: {  	v18 =	vor.u32 v3, v18;
	_ =	sdelay $0x4  }
0x11a: {  	[tilespmem:v18+s16+$0x0] =	vst.idx.msk vm0, v0  }
0x11b: {  	v18 =	vld [tilespmem:s0+$0x20];
	_ =	sdelay $0x4  }
0x11c: {  	vm12 =	vge.s32 v18, s31;
	vm13 =	vlt.s32 v18, s28;
	v18 =	vsub.s32 v18, v19  }
0x11d: {  	vm0 =	vmand vm12, vm13;
	v18 =	vshll.u32 v18, $0x7  }
0x11e: {  	v18 =	vor.u32 v4, v18;
	_ =	sdelay $0x4  }
0x11f: {  	[tilespmem:v18+s16+$0x0] =	vst.idx.msk vm0, v0  }
0x120: {  	v18 =	vld [tilespmem:s0+$0x30];
	_ =	sdelay $0x4  }
0x121: {  	vm14 =	vge.s32 v18, s31;
	vm15 =	vlt.s32 v18, s28;
	v18 =	vsub.s32 v18, v19  }
0x122: {  	vm0 =	vmand vm14, vm15;
	v18 =	vshll.u32 v18, $0x7  }
0x123: {  	v18 =	vor.u32 v5, v18;
	_ =	sdelay $0x4  }
0x124: {  	[tilespmem:v18+s16+$0x0] =	vst.idx.msk vm0, v0  }
0x125: {  	v18 =	vld [tilespmem:s0+$0x40];
	_ =	sdelay $0x4  }
0x126: {  	vm4 =	vge.s32 v18, s31;
	vm5 =	vlt.s32 v18, s28;
	v18 =	vsub.s32 v18, v19  }
0x127: {  	vm0 =	vmand vm4, vm5;
	v18 =	vshll.u32 v18, $0x7  }
0x128: {  	v18 =	vor.u32 v6, v18;
	_ =	sdelay $0x4  }
0x129: {  	[tilespmem:v18+s16+$0x0] =	vst.idx.msk vm0, v0  }
0x12a: {  	v18 =	vld [tilespmem:s0+$0x50];
	_ =	sdelay $0x4  }
0x12b: {  	vm6 =	vge.s32 v18, s31;
	vm7 =	vlt.s32 v18, s28;
	v18 =	vsub.s32 v18, v19  }
0x12c: {  	vm0 =	vmand vm6, vm7;
	v18 =	vshll.u32 v18, $0x7  }
0x12d: {  	v18 =	vor.u32 v7, v18;
	_ =	sdelay $0x4  }
0x12e: {  	[tilespmem:v18+s16+$0x0] =	vst.idx.msk vm0, v0  }
0x12f: {  	v18 =	vld [tilespmem:s0+$0x60];
	_ =	sdelay $0x4  }
0x130: {  	vm8 =	vge.s32 v18, s31;
	vm9 =	vlt.s32 v18, s28;
	v18 =	vsub.s32 v18, v19  }
0x131: {  	vm0 =	vmand vm8, vm9;
	v18 =	vshll.u32 v18, $0x7  }
0x132: {  	v18 =	vor.u32 v8, v18;
	_ =	sdelay $0x4  }
0x133: {  	[tilespmem:v18+s16+$0x0] =	vst.idx.msk vm0, v0  }
0x134: {  	v18 =	vld [tilespmem:s0+$0x70];
	_ =	sdelay $0x4  }
0x135: {  	vm10 =	vge.s32 v18, s31;
	vm11 =	vlt.s32 v18, s28;
	v18 =	vsub.s32 v18, v19  }
0x136: {  	vm0 =	vmand vm10, vm11;
	v18 =	vshll.u32 v18, $0x7  }
0x137: {  	v18 =	vor.u32 v9, v18;
	_ =	sdelay $0x2  }
0x138: {  	s30 =	sadd.s32 $0x267, s29;
	s31 =	smulhi.u32 $0xCCCCCCCD, s19  }
0x139: {  	s28 =	sshrl.u32 s30, $0x3  }
0x13a: {  	s28 =	sand.u32 $0x1F80, s28;
	s0 =	sshrl.u32 s31, $0x2;
	[tilespmem:v18+s16+$0x0] =	vst.idx.msk vm0, v0  }
0x13b: {  	s0 =	smul.u32 $0x3E8, s0;
	v18 =	vld [tilespmem:s28+$0x0];
	_ =	sdelay $0x1  }
0x13c: {  	s0 =	ssub.s32 s24, s0  }
0x13d: {  	s31 =	sadd.s32 $0x258, s0  }
0x13e: {  	s0 =	sadd.s32 $0x320, s0;
	v19 =	vmov s31  }
0x13f: {  	vm12 =	vge.s32 v18, s31;
	vm13 =	vlt.s32 v18, s0;
	v18 =	vsub.s32 v18, v19  }
0x140: {  	vm0 =	vmand vm12, vm13;
	v18 =	vshll.u32 v18, $0x7  }
0x141: {  	v18 =	vor.u32 v1, v18;
	_ =	sdelay $0x4  }
0x142: {  	[tilespmem:v18+s16+$0x0] =	vst.idx.msk vm0, v2  }
0x143: {  	v18 =	vld [tilespmem:s28+$0x10];
	_ =	sdelay $0x4  }
0x144: {  	vm14 =	vge.s32 v18, s31;
	vm15 =	vlt.s32 v18, s0;
	v18 =	vsub.s32 v18, v19  }
0x145: {  	vm0 =	vmand vm14, vm15;
	v18 =	vshll.u32 v18, $0x7  }
0x146: {  	v18 =	vor.u32 v3, v18;
	_ =	sdelay $0x4  }
0x147: {  	[tilespmem:v18+s16+$0x0] =	vst.idx.msk vm0, v2  }
0x148: {  	v18 =	vld [tilespmem:s28+$0x20];
	_ =	sdelay $0x4  }
0x149: {  	vm4 =	vge.s32 v18, s31;
	vm5 =	vlt.s32 v18, s0;
	v18 =	vsub.s32 v18, v19  }
0x14a: {  	vm0 =	vmand vm4, vm5;
	v18 =	vshll.u32 v18, $0x7  }
0x14b: {  	v18 =	vor.u32 v4, v18;
	_ =	sdelay $0x4  }
0x14c: {  	[tilespmem:v18+s16+$0x0] =	vst.idx.msk vm0, v2  }
0x14d: {  	v18 =	vld [tilespmem:s28+$0x30];
	_ =	sdelay $0x4  }
0x14e: {  	vm6 =	vge.s32 v18, s31;
	vm7 =	vlt.s32 v18, s0;
	v18 =	vsub.s32 v18, v19  }
0x14f: {  	vm0 =	vmand vm6, vm7;
	v18 =	vshll.u32 v18, $0x7  }
0x150: {  	v18 =	vor.u32 v5, v18;
	_ =	sdelay $0x4  }
0x151: {  	[tilespmem:v18+s16+$0x0] =	vst.idx.msk vm0, v2  }
0x152: {  	v18 =	vld [tilespmem:s28+$0x40];
	_ =	sdelay $0x4  }
0x153: {  	vm8 =	vge.s32 v18, s31;
	vm9 =	vlt.s32 v18, s0;
	v18 =	vsub.s32 v18, v19  }
0x154: {  	vm0 =	vmand vm8, vm9;
	v18 =	vshll.u32 v18, $0x7  }
0x155: {  	v18 =	vor.u32 v6, v18;
	_ =	sdelay $0x4  }
0x156: {  	[tilespmem:v18+s16+$0x0] =	vst.idx.msk vm0, v2  }
0x157: {  	v18 =	vld [tilespmem:s28+$0x50];
	_ =	sdelay $0x4  }
0x158: {  	vm10 =	vge.s32 v18, s31;
	vm11 =	vlt.s32 v18, s0;
	v18 =	vsub.s32 v18, v19  }
0x159: {  	vm0 =	vmand vm10, vm11;
	v18 =	vshll.u32 v18, $0x7  }
0x15a: {  	v18 =	vor.u32 v7, v18;
	_ =	sdelay $0x4  }
0x15b: {  	[tilespmem:v18+s16+$0x0] =	vst.idx.msk vm0, v2  }
0x15c: {  	v18 =	vld [tilespmem:s28+$0x60];
	_ =	sdelay $0x4  }
0x15d: {  	vm12 =	vge.s32 v18, s31;
	vm13 =	vlt.s32 v18, s0;
	v18 =	vsub.s32 v18, v19  }
0x15e: {  	vm0 =	vmand vm12, vm13;
	v18 =	vshll.u32 v18, $0x7  }
0x15f: {  	v18 =	vor.u32 v8, v18;
	_ =	sdelay $0x4  }
0x160: {  	[tilespmem:v18+s16+$0x0] =	vst.idx.msk vm0, v2  }
0x161: {  	v18 =	vld [tilespmem:s28+$0x70];
	_ =	sdelay $0x4  }
0x162: {  	vm14 =	vge.s32 v18, s31;
	vm15 =	vlt.s32 v18, s0;
	v18 =	vsub.s32 v18, v19  }
0x163: {  	vm0 =	vmand vm14, vm15;
	v18 =	vshll.u32 v18, $0x7  }
0x164: {  	v18 =	vor.u32 v9, v18;
	_ =	sdelay $0x1  }
0x165: {  	p0 =	sne.s32 s24, $0x4B00  }
.Ltmp2:
0x166: {  	_ = 	snop;
	(pc) =	sbr.rel @p0 .LBB2_6-.Ltmp2, $4  }
0x167: {  	s25 =	sadd.s32 $0x1, s25;
	s26 =	sadd.s32 $0x2, s26  }
0x168: {  	s20 =	sadd.s32 $0x2, s20;
	s22 =	sadd.s32 $0x190000, s22;
	s21 =	sadd.s32 $0x2, s21;
	[tilespmem:v18+s16+$0x0] =	vst.idx.msk vm0, v2  }
0x169: {  	[hbm4b:s23+s11] =	stream.strided.scatter [tilespmem:s16], [sflag:$0x2], $0x6400, s12, s11, $0x38;
	[tilespmem:$0xD400] =	vst v63  }
0x16a: {  	s19 =	sadd.s32 $0x2, s19;
	s24 =	sadd.s32 $0x190, s24;
	s23 =	sadd.s32 $0x32000, s23  }
0x16b: {  	s18 =	sadd.s32 $0x1, s18  }
0x16c: {  	_ =	swait.ge [sflag:s14], $0x6400;
	p0 =	sne.s32 s18, s8  }
.Ltmp3:
0x16d: {  	[sflag:s14] =	ssyncset.done $0x0;
	(pc) =	sbr.rel @p0 .LBB2_1-.Ltmp3, $4  }
0x16e: {  	[sflag:s14] =	ssyncadd.s32 $0xFFFF9C00  }
0x16f: {  	_ =	swait.ge [sflag:s17], $0x6400  }
0x170: {  	[sflag:s17] =	ssyncset.done $0x0  }
0x171: {  	[sflag:s17] =	ssyncadd.s32 $0xFFFF9C00  }
0x172: {  	_ =	sfence.sel $0x180000  }
0x173: {  	[bflag:$0x0] =	sbarrier.arrive $0xFFFF  }
0x174: {  	_ =	strace $0x90000047  }
0x175: {  	[bflag:$0x2] =	sbarrier.arrive $0xFFFF  }
0x176: {  	p0 =	sne.s32 s1, $0x0;
	s0 =	rddreg [dreg:$0x2]  }
0x177: {  	s0 =	sadd.s32 @!p0 $0x100000, s0  }
0x178: {  	[sflag:s0] =	ssyncadd.tile.s32 @!p0 $0x1;
	_ =	shalt  }
.Lfunc_end2:
_tile_overlayer_lowered:
.L_overlay_start_2:
0x179: {  	(tag) =	ssettag $0x2  }
0x17a: {  	s0 =	rddreg [dreg:$0x0];
	s2 =	stileid.u32  }
0x17b: {  	s1 =	rddreg [dreg:$0x1];
	p0 =	sne.s32 s2, $0x0  }
0x17c: {  	s3 =	rddreg [dreg:$0x2];
	[bflag:$0x3] =	sbarrier.arrive $0xFFFF;
	s2 =	simm.s32 @!p0 $0x1C03  }
0x17d: {  	[timem:s3], [sflag:s2] =	dma.local @!p0 [hbm:s0], s1  }
0x17e: {  	s0 =	simm.s32 @!p0 $0x3  }
0x17f: {  	_ =	swait.ge @!p0 [sflag:s0], s1  }
0x180: {  	s1 =	ssub.s32 @!p0 $0x0, s1;
	[sflag:s0] =	ssyncset.done @!p0 $0x0  }
0x181: {  	[sflag:s0] =	ssyncadd.s32 @!p0 s1  }
0x182: {  	[bflag:$0x3] =	sbarrier.arrive $0xFFFF  }
0x183: {  	_ =	shalt  }

</sc_bundles>
